<compile_context>
chip_gen: v7x
topology: tpu7x:2x2x1
jax: 0.10.2.dev20260603
libtpu: 0.0.44.dev20260713+nightly
codegen_flags: <defaults>
</compile_context>

<pallas_src>
import functools
import math

import numpy as np
import jax
import jax.numpy as jnp
from jax import lax
from jax.experimental import pallas as pl
from jax.experimental.pallas import tpu as pltpu
from jax.experimental.pallas import tpu_sc as plsc

_B, _N, _V, _D = 16, 4096, 21, 256
_VP = 32
_L = 16
_NW = 32
_CHUNK = _N // _NW
_HB = 64
_NG = _B * _CHUNK // _HB
_TCB = 512
_DP = _D // 2


@functools.lru_cache(maxsize=None)
def _pos_table():
    pos = np.arange(_N, dtype=np.float32)[:, None]
    div = np.exp(
        np.arange(0, _D, 2, dtype=np.float32) * (-math.log(10000.0) / _D)
    ).astype(np.float32)
    enc = np.zeros((_N, _D), dtype=np.float32)
    enc[:, 0::2] = np.sin(pos * div)
    enc[:, 1::2] = np.cos(pos * div)
    return enc


def _bf16_pack(x):
    lo = x[:, :_DP].astype(jnp.bfloat16)
    hi = x[:, _DP:].astype(jnp.bfloat16)
    lo_u = lax.convert_element_type(
        lax.bitcast_convert_type(lo, jnp.uint16), jnp.uint32)
    hi_u = lax.convert_element_type(
        lax.bitcast_convert_type(hi, jnp.uint16), jnp.uint32)
    return lax.bitcast_convert_type(lo_u | (hi_u << 16), jnp.float32)


def _tc_vocab_body(tbl_ref, gamma_ref, sv_ref, ta_ref):
    inv_d = jnp.float32(1.0 / _D)
    tbl = tbl_ref[...]
    s1 = jnp.sum(tbl, axis=1) * inv_d
    s2 = jnp.sum(tbl * tbl, axis=1) * inv_d
    sv_ref[...] = jnp.stack(
        [s1, s2, s1, s2, s1, s2, s1, s2], axis=0)
    ta = gamma_ref[...] * (tbl - s1[:, None])
    ta_ref[...] = _bf16_pack(ta)


_tc_vocab = pl.pallas_call(
    _tc_vocab_body,
    out_shape=[
        jax.ShapeDtypeStruct((8, _VP), jnp.float32),
        jax.ShapeDtypeStruct((_VP, _DP), jnp.float32),
    ],
)


def _tc_stats_body(pos_ref, tbl_ref, sv_ref, p1_ref, p2_ref, gamma_ref,
                   rstd_ref, pa_ref):
    inv_d = jnp.float32(1.0 / _D)
    pos_b = pos_ref[...]
    c = lax.dot_general(pos_b, tbl_ref[...], (((1,), (1,)), ((), ())),
                        preferred_element_type=jnp.float32)
    s1 = sv_ref[0, :][None, :]
    s2 = sv_ref[1, :][None, :]
    p1 = p1_ref[...]
    mean = p1 + s1
    var = s2 + (jnp.float32(2.0) * inv_d) * c + p2_ref[...] - mean * mean
    rstd_ref[...] = lax.rsqrt(var + jnp.float32(1e-5))
    pa = gamma_ref[...] * (pos_b - p1)
    pa_ref[...] = _bf16_pack(pa)


_tc_stats = pl.pallas_call(
    _tc_stats_body,
    grid=(_N // _TCB,),
    in_specs=[
        pl.BlockSpec((_TCB, _D), lambda i: (i, 0)),
        pl.BlockSpec((_VP, _D), lambda i: (0, 0)),
        pl.BlockSpec((8, _VP), lambda i: (0, 0)),
        pl.BlockSpec((_TCB, 1), lambda i: (i, 0)),
        pl.BlockSpec((_TCB, 1), lambda i: (i, 0)),
        pl.BlockSpec((1, _D), lambda i: (0, 0)),
    ],
    out_specs=[
        pl.BlockSpec((_TCB, _VP), lambda i: (i, 0)),
        pl.BlockSpec((_TCB, _DP), lambda i: (i, 0)),
    ],
    out_shape=[
        jax.ShapeDtypeStruct((_N, _VP), jnp.float32),
        jax.ShapeDtypeStruct((_N, _DP), jnp.float32),
    ],
)


_mesh = plsc.VectorSubcoreMesh(core_axis_name="c", subcore_axis_name="s")


@functools.partial(
    pl.kernel,
    out_type=jax.ShapeDtypeStruct((_B, _N, _D), jnp.float32),
    mesh=_mesh,
    compiler_params=pltpu.CompilerParams(needs_layout_passes=False),
    scratch_types=[
        pltpu.VMEM((_VP, _DP), jnp.float32),
        pltpu.VMEM((_CHUNK, _DP), jnp.float32),
        pltpu.VMEM((_B, _CHUNK), jnp.int32),
        pltpu.VMEM((_D,), jnp.float32),
        pltpu.VMEM((_CHUNK, _VP), jnp.float32),
        pltpu.VMEM((2, _HB, _D), jnp.float32),
        pltpu.SemaphoreType.DMA((2,)),
        pltpu.SemaphoreType.DMA,
    ],
)
def _sc_embed_ln(tokens_hbm, ta_hbm, beta_hbm, pa_hbm, rstd_hbm, out_hbm,
                 ta_v, pa_v, tok_v, beta_v, rstd_v, out_v, sem, ssem):
    wid = lax.axis_index("s") * 2 + lax.axis_index("c")
    n0 = wid * _CHUNK

    copies = [
        pltpu.async_copy(ta_hbm, ta_v, ssem),
        pltpu.async_copy(pa_hbm.at[pl.ds(n0, _CHUNK)], pa_v, ssem),
        pltpu.async_copy(tokens_hbm.at[:, pl.ds(n0, _CHUNK)], tok_v, ssem),
        pltpu.async_copy(beta_hbm, beta_v, ssem),
        pltpu.async_copy(rstd_hbm.at[pl.ds(n0, _CHUNK)], rstd_v, ssem),
    ]
    for cp in copies:
        cp.wait()

    bchunks = [beta_v[pl.ds(j * _L, _L)] for j in range(_D // _L)]
    himask = jnp.full((_L,), -65536, jnp.int32)

    gpb = _CHUNK // _HB

    def group_body(gi, carry):
        b = gi // gpb
        g = gi % gpb
        par = gi % 2
        r0 = g * _HB

        @pl.when(gi >= 2)
        def _wait_prev():
            pltpu.make_async_copy(
                out_v.at[par],
                out_hbm.at[b, pl.ds(n0 + r0, _HB)],
                sem.at[par],
            ).wait()

        @plsc.parallel_loop(0, _HB, step=1, unroll=2)
        def row_body(rl):
            r = r0 + rl
            tokv = plsc.load_gather(
                tok_v, [jnp.full((_L,), b, jnp.int32),
                        jnp.full((_L,), r, jnp.int32)])
            rs = plsc.load_gather(
                rstd_v, [jnp.full((_L,), r, jnp.int32), tokv])
            iota = lax.iota(jnp.int32, _L)
            for q in range(_DP // _L):
                tp = plsc.load_gather(ta_v, [tokv, iota + (q * _L)])
                pp = pa_v[r, pl.ds(q * _L, _L)]
                ti = plsc.bitcast(tp, jnp.int32)
                pi = plsc.bitcast(pp, jnp.int32)
                t_lo = plsc.bitcast(lax.shift_left(ti, 16), jnp.float32)
                p_lo = plsc.bitcast(lax.shift_left(pi, 16), jnp.float32)
                t_hi = plsc.bitcast(ti & himask, jnp.float32)
                p_hi = plsc.bitcast(pi & himask, jnp.float32)
                out_v[par, rl, pl.ds(q * _L, _L)] = (
                    (t_lo + p_lo) * rs + bchunks[q])
                out_v[par, rl, pl.ds(_DP + q * _L, _L)] = (
                    (t_hi + p_hi) * rs + bchunks[(_DP // _L) + q])

        pltpu.async_copy(
            out_v.at[par],
            out_hbm.at[b, pl.ds(n0 + r0, _HB)],
            sem.at[par],
        )
        return carry

    lax.fori_loop(0, _NG, group_body, 0)

    for par in range(2):
        pltpu.make_async_copy(
            out_v.at[par],
            out_hbm.at[0, pl.ds(n0, _HB)],
            sem.at[par],
        ).wait()


def kernel(tokens, table, gamma, beta):
    tokens = tokens.astype(jnp.int32)
    posn = _pos_table()
    pos = jnp.asarray(posn)
    p1 = jnp.asarray(posn.mean(axis=1, keepdims=True))
    p2 = jnp.asarray((posn * posn).mean(axis=1, keepdims=True))
    tbl_pad = jnp.pad(table, ((0, _VP - _V), (0, 0)))
    gamma2d = gamma[None, :]
    sv, ta = _tc_vocab(tbl_pad, gamma2d)
    rstd_arr, pa = _tc_stats(pos, tbl_pad, sv, p1, p2, gamma2d)
    return _sc_embed_ln(tokens, ta, beta, pa, rstd_arr)

# --- scband reference (transcript-rebuilt; emitter-appended) ---
"""Pipeline reference for scband-residue-embedding-82970178224143 (READ-ONLY COPY).

The authoritative reference and input builder live on the scoring server;
editing this copy changes nothing except your own understanding.
"""

import math
import jax, jax.numpy as jnp
import numpy as np


def _sinusoidal(max_len, dim):
    pos = jnp.arange(max_len, dtype=jnp.float32)[:, None]
    div = jnp.exp(jnp.arange(0, dim, 2, dtype=jnp.float32) * (-math.log(10000.0) / dim))
    enc = jnp.zeros((max_len, dim), dtype=jnp.float32)
    enc = enc.at[:, 0::2].set(jnp.sin(pos * div))
    enc = enc.at[:, 1::2].set(jnp.cos(pos * div))
    return enc


def setup_inputs(seed: int = 0) -> dict:
    key = jax.random.key(seed)
    k1, k2 = jax.random.split(key)
    B, N, V, D = 16, 4096, 21, 256
    tokens = jax.random.randint(k1, (B, N), 0, V, dtype=jnp.int64)
    table = jax.random.normal(k2, (V, D), dtype=jnp.float32)
    table = table.at[0].set(0.0)  # padding_idx=0
    gamma = jnp.ones((D,), dtype=jnp.float32)
    beta = jnp.zeros((D,), dtype=jnp.float32)
    return {"tokens": tokens, "table": table, "gamma": gamma, "beta": beta}


def reference(tokens, table, gamma, beta):
    B, N = tokens.shape
    D = table.shape[1]
    # embedding gather
    x = jnp.take(table, tokens, axis=0)  # [B, N, D]
    # sinusoidal positional encoding (buffer, not learned)
    pos = _sinusoidal(N, D)  # [N, D]
    x = x + pos[None, :, :]
    # LayerNorm (eps=1e-5, biased variance like torch)
    mean = jnp.mean(x, axis=-1, keepdims=True)
    var = jnp.mean((x - mean) ** 2, axis=-1, keepdims=True)
    out = (x - mean) / jnp.sqrt(var + 1e-5) * gamma + beta
    # dropout is identity in eval mode
    return out

if __name__ == "__main__":
    import jax
    _d = setup_inputs()
    print(jax.jit(kernel)(*tuple(_d.values())))

</pallas_src>

<mosaic_0001>
#map = affine_map<(d0, d1) -> (0, 0)>
#map1 = affine_map<(d0, d1) -> (0)>
#map2 = affine_map<(d0, d1) -> (0, 0, 0)>
module attributes {stable_mosaic.version = 14 : i64} {
  func.func @_sc_embed_ln(%arg0: i32, %arg1: i32, %arg2: memref<16x4096xi32, #tpu.memory_space<hbm>>, %arg3: memref<32x128xf32, #tpu.memory_space<hbm>>, %arg4: memref<256xf32, #tpu.memory_space<hbm>>, %arg5: memref<4096x128xf32, #tpu.memory_space<hbm>>, %arg6: memref<4096x32xf32, #tpu.memory_space<hbm>>, %arg7: memref<16x4096x256xf32, #tpu.memory_space<hbm>>, %arg8: memref<32x128xf32, #tpu.memory_space<vmem>>, %arg9: memref<128x128xf32, #tpu.memory_space<vmem>>, %arg10: memref<16x128xi32, #tpu.memory_space<vmem>>, %arg11: memref<256xf32, #tpu.memory_space<vmem>>, %arg12: memref<128x32xf32, #tpu.memory_space<vmem>>, %arg13: memref<2x64x256xf32, #tpu.memory_space<vmem>>, %arg14: memref<2x!tpu.dma_semaphore, #tpu.memory_space<semaphore_mem>>, %arg15: memref<!tpu.dma_semaphore, #tpu.memory_space<semaphore_mem>>) attributes {dimension_semantics = [#tpu.dimension_semantics<core_parallel>, #tpu.dimension_semantics<subcore_parallel>], iteration_bounds = array<i64: 2, 16>, scalar_prefetch = 0 : i64, scratch_operands = 8 : i64, tpu.core_type = #tpu.core_type<sc_vector_subcore>, window_params = [{transform_indices = #map}, {transform_indices = #map}, {transform_indices = #map1}, {transform_indices = #map}, {transform_indices = #map}, {transform_indices = #map2}]} {
    %mul3A = arith.constant 2 : i32
    %mul3A_0 = arith.muli %arg1, %mul3A : i32
    %add3A = arith.addi %mul3A_0, %arg0 : i32
    %mul3A_1 = arith.constant 128 : i32
    %mul3A_2 = arith.muli %add3A, %mul3A_1 : i32
    tpu.enqueue_dma source(%arg3 : memref<32x128xf32, #tpu.memory_space<hbm>>) target(%arg8 : memref<32x128xf32, #tpu.memory_space<vmem>>) target_semaphore(%arg15 : memref<!tpu.dma_semaphore, #tpu.memory_space<semaphore_mem>>)
    %dma_start3A = arith.constant 0 : i32
    %dma_start3A_3 = tpu.memref_slice %arg5[%mul3A_2, %dma_start3A] : memref<4096x128xf32, #tpu.memory_space<hbm>> -> memref<128x128xf32, #tpu.memory_space<hbm>>
    %dma_start3A_4 = arith.constant 0 : i32
    %dma_start3A_5 = tpu.memref_slice %arg5[%mul3A_2, %dma_start3A_4] : memref<4096x128xf32, #tpu.memory_space<hbm>> -> memref<128x128xf32, #tpu.memory_space<hbm>>
    tpu.enqueue_dma source(%dma_start3A_5 : memref<128x128xf32, #tpu.memory_space<hbm>>) target(%arg9 : memref<128x128xf32, #tpu.memory_space<vmem>>) target_semaphore(%arg15 : memref<!tpu.dma_semaphore, #tpu.memory_space<semaphore_mem>>)
    %dma_start3A_6 = arith.constant 0 : i32
    %dma_start3A_7 = tpu.memref_slice %arg2[%dma_start3A_6, %mul3A_2] : memref<16x4096xi32, #tpu.memory_space<hbm>> -> memref<16x128xi32, #tpu.memory_space<hbm>>
    %dma_start3A_8 = arith.constant 0 : i32
    %dma_start3A_9 = tpu.memref_slice %arg2[%dma_start3A_8, %mul3A_2] : memref<16x4096xi32, #tpu.memory_space<hbm>> -> memref<16x128xi32, #tpu.memory_space<hbm>>
    tpu.enqueue_dma source(%dma_start3A_9 : memref<16x128xi32, #tpu.memory_space<hbm>>) target(%arg10 : memref<16x128xi32, #tpu.memory_space<vmem>>) target_semaphore(%arg15 : memref<!tpu.dma_semaphore, #tpu.memory_space<semaphore_mem>>)
    tpu.enqueue_dma source(%arg4 : memref<256xf32, #tpu.memory_space<hbm>>) target(%arg11 : memref<256xf32, #tpu.memory_space<vmem>>) target_semaphore(%arg15 : memref<!tpu.dma_semaphore, #tpu.memory_space<semaphore_mem>>)
    %dma_start3A_10 = arith.constant 0 : i32
    %dma_start3A_11 = tpu.memref_slice %arg6[%mul3A_2, %dma_start3A_10] : memref<4096x32xf32, #tpu.memory_space<hbm>> -> memref<128x32xf32, #tpu.memory_space<hbm>>
    %dma_start3A_12 = arith.constant 0 : i32
    %dma_start3A_13 = tpu.memref_slice %arg6[%mul3A_2, %dma_start3A_12] : memref<4096x32xf32, #tpu.memory_space<hbm>> -> memref<128x32xf32, #tpu.memory_space<hbm>>
    tpu.enqueue_dma source(%dma_start3A_13 : memref<128x32xf32, #tpu.memory_space<hbm>>) target(%arg12 : memref<128x32xf32, #tpu.memory_space<vmem>>) target_semaphore(%arg15 : memref<!tpu.dma_semaphore, #tpu.memory_space<semaphore_mem>>)
    tpu.wait_dma2 semaphore(%arg15 : memref<!tpu.dma_semaphore, #tpu.memory_space<semaphore_mem>>) src(%arg3 : memref<32x128xf32, #tpu.memory_space<hbm>>) dst(%arg8 : memref<32x128xf32, #tpu.memory_space<vmem>>)
    %dma_wait3A = arith.constant 0 : i32
    %dma_wait3A_14 = tpu.memref_slice %arg5[%mul3A_2, %dma_wait3A] : memref<4096x128xf32, #tpu.memory_space<hbm>> -> memref<128x128xf32, #tpu.memory_space<hbm>>
    %dma_wait3A_15 = arith.constant 0 : i32
    %dma_wait3A_16 = tpu.memref_slice %arg5[%mul3A_2, %dma_wait3A_15] : memref<4096x128xf32, #tpu.memory_space<hbm>> -> memref<128x128xf32, #tpu.memory_space<hbm>>
    tpu.wait_dma2 semaphore(%arg15 : memref<!tpu.dma_semaphore, #tpu.memory_space<semaphore_mem>>) src(%dma_wait3A_16 : memref<128x128xf32, #tpu.memory_space<hbm>>) dst(%arg9 : memref<128x128xf32, #tpu.memory_space<vmem>>)
    %dma_wait3A_17 = arith.constant 0 : i32
    %dma_wait3A_18 = tpu.memref_slice %arg2[%dma_wait3A_17, %mul3A_2] : memref<16x4096xi32, #tpu.memory_space<hbm>> -> memref<16x128xi32, #tpu.memory_space<hbm>>
    %dma_wait3A_19 = arith.constant 0 : i32
    %dma_wait3A_20 = tpu.memref_slice %arg2[%dma_wait3A_19, %mul3A_2] : memref<16x4096xi32, #tpu.memory_space<hbm>> -> memref<16x128xi32, #tpu.memory_space<hbm>>
    tpu.wait_dma2 semaphore(%arg15 : memref<!tpu.dma_semaphore, #tpu.memory_space<semaphore_mem>>) src(%dma_wait3A_20 : memref<16x128xi32, #tpu.memory_space<hbm>>) dst(%arg10 : memref<16x128xi32, #tpu.memory_space<vmem>>)
    tpu.wait_dma2 semaphore(%arg15 : memref<!tpu.dma_semaphore, #tpu.memory_space<semaphore_mem>>) src(%arg4 : memref<256xf32, #tpu.memory_space<hbm>>) dst(%arg11 : memref<256xf32, #tpu.memory_space<vmem>>)
    %dma_wait3A_21 = arith.constant 0 : i32
    %dma_wait3A_22 = tpu.memref_slice %arg6[%mul3A_2, %dma_wait3A_21] : memref<4096x32xf32, #tpu.memory_space<hbm>> -> memref<128x32xf32, #tpu.memory_space<hbm>>
    %dma_wait3A_23 = arith.constant 0 : i32
    %dma_wait3A_24 = tpu.memref_slice %arg6[%mul3A_2, %dma_wait3A_23] : memref<4096x32xf32, #tpu.memory_space<hbm>> -> memref<128x32xf32, #tpu.memory_space<hbm>>
    tpu.wait_dma2 semaphore(%arg15 : memref<!tpu.dma_semaphore, #tpu.memory_space<semaphore_mem>>) src(%dma_wait3A_24 : memref<128x32xf32, #tpu.memory_space<hbm>>) dst(%arg12 : memref<128x32xf32, #tpu.memory_space<vmem>>)
    %get3A = arith.constant 0 : index
    %get3A_25 = tpu.vector_load %arg11[%get3A] {strides = array<i32>} : memref<256xf32, #tpu.memory_space<vmem>>, vector<16xf32>,
    %get3A_26 = arith.constant 16 : index
    %get3A_27 = tpu.vector_load %arg11[%get3A_26] {strides = array<i32>} : memref<256xf32, #tpu.memory_space<vmem>>, vector<16xf32>,
    %get3A_28 = arith.constant 32 : index
    %get3A_29 = tpu.vector_load %arg11[%get3A_28] {strides = array<i32>} : memref<256xf32, #tpu.memory_space<vmem>>, vector<16xf32>,
    %get3A_30 = arith.constant 48 : index
    %get3A_31 = tpu.vector_load %arg11[%get3A_30] {strides = array<i32>} : memref<256xf32, #tpu.memory_space<vmem>>, vector<16xf32>,
    %get3A_32 = arith.constant 64 : index
    %get3A_33 = tpu.vector_load %arg11[%get3A_32] {strides = array<i32>} : memref<256xf32, #tpu.memory_space<vmem>>, vector<16xf32>,
    %get3A_34 = arith.constant 80 : index
    %get3A_35 = tpu.vector_load %arg11[%get3A_34] {strides = array<i32>} : memref<256xf32, #tpu.memory_space<vmem>>, vector<16xf32>,
    %get3A_36 = arith.constant 96 : index
    %get3A_37 = tpu.vector_load %arg11[%get3A_36] {strides = array<i32>} : memref<256xf32, #tpu.memory_space<vmem>>, vector<16xf32>,
    %get3A_38 = arith.constant 112 : index
    %get3A_39 = tpu.vector_load %arg11[%get3A_38] {strides = array<i32>} : memref<256xf32, #tpu.memory_space<vmem>>, vector<16xf32>,
    %get3A_40 = arith.constant 128 : index
    %get3A_41 = tpu.vector_load %arg11[%get3A_40] {strides = array<i32>} : memref<256xf32, #tpu.memory_space<vmem>>, vector<16xf32>,
    %get3A_42 = arith.constant 144 : index
    %get3A_43 = tpu.vector_load %arg11[%get3A_42] {strides = array<i32>} : memref<256xf32, #tpu.memory_space<vmem>>, vector<16xf32>,
    %get3A_44 = arith.constant 160 : index
    %get3A_45 = tpu.vector_load %arg11[%get3A_44] {strides = array<i32>} : memref<256xf32, #tpu.memory_space<vmem>>, vector<16xf32>,
    %get3A_46 = arith.constant 176 : index
    %get3A_47 = tpu.vector_load %arg11[%get3A_46] {strides = array<i32>} : memref<256xf32, #tpu.memory_space<vmem>>, vector<16xf32>,
    %get3A_48 = arith.constant 192 : index
    %get3A_49 = tpu.vector_load %arg11[%get3A_48] {strides = array<i32>} : memref<256xf32, #tpu.memory_space<vmem>>, vector<16xf32>,
    %get3A_50 = arith.constant 208 : index
    %get3A_51 = tpu.vector_load %arg11[%get3A_50] {strides = array<i32>} : memref<256xf32, #tpu.memory_space<vmem>>, vector<16xf32>,
    %get3A_52 = arith.constant 224 : index
    %get3A_53 = tpu.vector_load %arg11[%get3A_52] {strides = array<i32>} : memref<256xf32, #tpu.memory_space<vmem>>, vector<16xf32>,
    %get3A_54 = arith.constant 240 : index
    %get3A_55 = tpu.vector_load %arg11[%get3A_54] {strides = array<i32>} : memref<256xf32, #tpu.memory_space<vmem>>, vector<16xf32>,
    %broadcast_in_dim3A = arith.constant -65536 : i32
    %broadcast_in_dim3A_56 = vector.broadcast %broadcast_in_dim3A : i32 to vector<16xi32>
    %scan3A = arith.constant 0 : i32
    %scan3A_57 = arith.constant 0 : i32
    %scan3A_58 = arith.constant 32 : i32
    %scan3A_59 = arith.addi %scan3A_57, %scan3A_58 : i32
    %scan3A_60 = arith.constant 1 : i32
    scf.for %scan3A_100 = %scan3A_57 to %scan3A_59 step %scan3A_60  : i32 {
      %jit3A = arith.constant 2 : i32
      %div3A = arith.divsi %scan3A_100, %jit3A : i32
      %sign3A = arith.constant 0 : i32
      %sign3A_101 = arith.cmpi sgt, %scan3A_100, %sign3A : i32
      %sign3A_102 = arith.extui %sign3A_101 : i1 to i32
      %sign3A_103 = arith.constant 0 : i32
      %sign3A_104 = arith.cmpi slt, %scan3A_100, %sign3A_103 : i32
      %sign3A_105 = arith.extui %sign3A_104 : i1 to i32
      %sign3A_106 = arith.subi %sign3A_102, %sign3A_105 : i32
      %sign3A_107 = arith.constant 0 : i32
      %sign3A_108 = arith.cmpi sgt, %jit3A, %sign3A_107 : i32
      %sign3A_109 = arith.extui %sign3A_108 : i1 to i32
      %sign3A_110 = arith.constant 0 : i32
      %sign3A_111 = arith.cmpi slt, %jit3A, %sign3A_110 : i32
      %sign3A_112 = arith.extui %sign3A_111 : i1 to i32
      %sign3A_113 = arith.subi %sign3A_109, %sign3A_112 : i32
      %ne3A = arith.cmpi ne, %sign3A_106, %sign3A_113 : i32
      %rem3A = arith.remsi %scan3A_100, %jit3A : i32
      %ne3A_114 = arith.constant 0 : i32
      %ne3A_115 = arith.cmpi ne, %rem3A, %ne3A_114 : i32
      %and3A = arith.andi %ne3A, %ne3A_115 : i1
      %sub3A = arith.constant 1 : i32
      %sub3A_116 = arith.subi %div3A, %sub3A : i32
      %select_n3A = arith.select %and3A, %sub3A_116, %div3A : i32
      %jit3A_117 = arith.constant 2 : i32
      %eq3A = arith.constant 0 : i32
      %eq3A_118 = arith.cmpi eq, %jit3A_117, %eq3A : i32
      %jit3A_119 = arith.constant 1 : i32
      %select_n3A_120 = arith.select %eq3A_118, %jit3A_119, %jit3A_117 : i32
      %rem3A_121 = arith.remsi %scan3A_100, %select_n3A_120 : i32
      %ne3A_122 = arith.constant 0 : i32
      %ne3A_123 = arith.cmpi ne, %rem3A_121, %ne3A_122 : i32
      %lt3A = arith.constant 0 : i32
      %lt3A_124 = arith.cmpi slt, %rem3A_121, %lt3A : i32
      %lt3A_125 = arith.constant 0 : i32
      %lt3A_126 = arith.cmpi slt, %select_n3A_120, %lt3A_125 : i32
      %ne3A_127 = arith.xori %lt3A_124, %lt3A_126 : i1
      %and3A_128 = arith.andi %ne3A_127, %ne3A_123 : i1
      %add3A_129 = arith.addi %rem3A_121, %select_n3A_120 : i32
      %select_n3A_130 = arith.select %and3A_128, %add3A_129, %rem3A_121 : i32
      %jit3A_131 = arith.constant 2 : i32
      %eq3A_132 = arith.constant 0 : i32
      %eq3A_133 = arith.cmpi eq, %jit3A_131, %eq3A_132 : i32
      %jit3A_134 = arith.constant 1 : i32
      %select_n3A_135 = arith.select %eq3A_133, %jit3A_134, %jit3A_131 : i32
      %rem3A_136 = arith.remsi %scan3A_100, %select_n3A_135 : i32
      %ne3A_137 = arith.constant 0 : i32
      %ne3A_138 = arith.cmpi ne, %rem3A_136, %ne3A_137 : i32
      %lt3A_139 = arith.constant 0 : i32
      %lt3A_140 = arith.cmpi slt, %rem3A_136, %lt3A_139 : i32
      %lt3A_141 = arith.constant 0 : i32
      %lt3A_142 = arith.cmpi slt, %select_n3A_135, %lt3A_141 : i32
      %ne3A_143 = arith.xori %lt3A_140, %lt3A_142 : i1
      %and3A_144 = arith.andi %ne3A_143, %ne3A_138 : i1
      %add3A_145 = arith.addi %rem3A_136, %select_n3A_135 : i32
      %select_n3A_146 = arith.select %and3A_144, %add3A_145, %rem3A_136 : i32
      %mul3A_147 = arith.constant 64 : i32
      %mul3A_148 = arith.muli %select_n3A_130, %mul3A_147 : i32
      %ge3A = arith.constant 2 : i32
      %ge3A_149 = arith.cmpi sge, %scan3A_100, %ge3A : i32
      %convert_element_type3A = arith.extui %ge3A_149 : i1 to i32
      %cond3A = arith.constant 0 : i32
      %cond3A_150 = arith.cmpi ne, %convert_element_type3A, %cond3A : i32
      scf.if %cond3A_150 {
        %add3A_170 = arith.addi %mul3A_2, %mul3A_148 : i32
        %dma_wait3A_171 = arith.constant 0 : i32
        %dma_wait3A_172 = arith.constant 0 : i32
        %dma_wait3A_173 = tpu.memref_slice %arg13[%select_n3A_146, %dma_wait3A_171, %dma_wait3A_172] : memref<2x64x256xf32, #tpu.memory_space<vmem>> -> memref<1x64x256xf32, #tpu.memory_space<vmem>>
        %dma_wait3A_174 = tpu.memref_squeeze %dma_wait3A_173 : memref<1x64x256xf32, #tpu.memory_space<vmem>> -> memref<64x256xf32, #tpu.memory_space<vmem>>
        %dma_wait3A_175 = arith.constant 0 : i32
        %dma_wait3A_176 = tpu.memref_slice %arg7[%select_n3A, %add3A_170, %dma_wait3A_175] : memref<16x4096x256xf32, #tpu.memory_space<hbm>> -> memref<1x64x256xf32, #tpu.memory_space<hbm>>
        %dma_wait3A_177 = tpu.memref_squeeze %dma_wait3A_176 : memref<1x64x256xf32, #tpu.memory_space<hbm>> -> memref<64x256xf32, #tpu.memory_space<hbm>>
        %dma_wait3A_178 = tpu.memref_slice %arg14[%select_n3A_146] : memref<2x!tpu.dma_semaphore, #tpu.memory_space<semaphore_mem>> -> memref<1x!tpu.dma_semaphore, #tpu.memory_space<semaphore_mem>>
        %dma_wait3A_179 = tpu.memref_squeeze %dma_wait3A_178 : memref<1x!tpu.dma_semaphore, #tpu.memory_space<semaphore_mem>> -> memref<!tpu.dma_semaphore, #tpu.memory_space<semaphore_mem>>
        %dma_wait3A_180 = arith.constant 0 : i32
        %dma_wait3A_181 = tpu.memref_slice %arg7[%select_n3A, %add3A_170, %dma_wait3A_180] : memref<16x4096x256xf32, #tpu.memory_space<hbm>> -> memref<1x64x256xf32, #tpu.memory_space<hbm>>
        %dma_wait3A_182 = tpu.memref_squeeze %dma_wait3A_181 : memref<1x64x256xf32, #tpu.memory_space<hbm>> -> memref<64x256xf32, #tpu.memory_space<hbm>>
        %dma_wait3A_183 = arith.constant 0 : i32
        %dma_wait3A_184 = arith.constant 0 : i32
        %dma_wait3A_185 = tpu.memref_slice %arg13[%select_n3A_146, %dma_wait3A_183, %dma_wait3A_184] : memref<2x64x256xf32, #tpu.memory_space<vmem>> -> memref<1x64x256xf32, #tpu.memory_space<vmem>>
        %dma_wait3A_186 = tpu.memref_squeeze %dma_wait3A_185 : memref<1x64x256xf32, #tpu.memory_space<vmem>> -> memref<64x256xf32, #tpu.memory_space<vmem>>
        tpu.wait_dma2 semaphore(%dma_wait3A_179 : memref<!tpu.dma_semaphore, #tpu.memory_space<semaphore_mem>>) src(%dma_wait3A_186 : memref<64x256xf32, #tpu.memory_space<vmem>>) dst(%dma_wait3A_182 : memref<64x256xf32, #tpu.memory_space<hbm>>)
      } else {
      }
      %parallel_loop3A = arith.constant 0 : i32
      %parallel_loop3A_151 = arith.constant 64 : i32
      %parallel_loop3A_152 = arith.constant 1 : i32
      scf.for %parallel_loop3A_170 = %parallel_loop3A to %parallel_loop3A_151 step %parallel_loop3A_152  : i32 {
        %parallel_loop3A_171 = arith.addi %mul3A_148, %parallel_loop3A_170 : i32
        %parallel_loop3A_172 = vector.broadcast %select_n3A : i32 to vector<16xi32>
        %parallel_loop3A_173 = vector.broadcast %parallel_loop3A_171 : i32 to vector<16xi32>
        %parallel_loop3A_174 = tpu.vector_load_idx %arg10[%parallel_loop3A_172, %parallel_loop3A_173] : memref<16x128xi32, #tpu.memory_space<vmem>>[vector<16xi32>, vector<16xi32>], vector<16xi32>,
        %parallel_loop3A_175 = vector.broadcast %parallel_loop3A_171 : i32 to vector<16xi32>
        %parallel_loop3A_176 = tpu.vector_load_idx %arg12[%parallel_loop3A_175, %parallel_loop3A_174] : memref<128x32xf32, #tpu.memory_space<vmem>>[vector<16xi32>, vector<16xi32>], vector<16xf32>,
        %parallel_loop3A_177 = tpu.iota {dimensions = array<i32: 0>} : vector<16xi32>
        %parallel_loop3A_178 = arith.constant 0 : i32
        %parallel_loop3A_179 = vector.broadcast %parallel_loop3A_178 : i32 to vector<16xi32>
        %parallel_loop3A_180 = arith.addi %parallel_loop3A_177, %parallel_loop3A_179 : vector<16xi32>
        %parallel_loop3A_181 = tpu.vector_load_idx %arg8[%parallel_loop3A_174, %parallel_loop3A_180] : memref<32x128xf32, #tpu.memory_space<vmem>>[vector<16xi32>, vector<16xi32>], vector<16xf32>,
        %parallel_loop3A_182 = arith.index_cast %parallel_loop3A_171 : i32 to index
        %parallel_loop3A_183 = arith.constant 0 : index
        %parallel_loop3A_184 = tpu.vector_load %arg9[%parallel_loop3A_182, %parallel_loop3A_183] {strides = array<i32>} : memref<128x128xf32, #tpu.memory_space<vmem>>, vector<16xf32>,
        %parallel_loop3A_185 = vector.bitcast %parallel_loop3A_181 : vector<16xf32> to vector<16xi32>
        %parallel_loop3A_186 = vector.bitcast %parallel_loop3A_184 : vector<16xf32> to vector<16xi32>
        %parallel_loop3A_187 = arith.constant 16 : i32
        %parallel_loop3A_188 = vector.broadcast %parallel_loop3A_187 : i32 to vector<16xi32>
        %parallel_loop3A_189 = arith.shli %parallel_loop3A_185, %parallel_loop3A_188 : vector<16xi32>
        %parallel_loop3A_190 = vector.bitcast %parallel_loop3A_189 : vector<16xi32> to vector<16xf32>
        %parallel_loop3A_191 = arith.constant 16 : i32
        %parallel_loop3A_192 = vector.broadcast %parallel_loop3A_191 : i32 to vector<16xi32>
        %parallel_loop3A_193 = arith.shli %parallel_loop3A_186, %parallel_loop3A_192 : vector<16xi32>
        %parallel_loop3A_194 = vector.bitcast %parallel_loop3A_193 : vector<16xi32> to vector<16xf32>
        %parallel_loop3A_195 = arith.andi %parallel_loop3A_185, %broadcast_in_dim3A_56 : vector<16xi32>
        %parallel_loop3A_196 = vector.bitcast %parallel_loop3A_195 : vector<16xi32> to vector<16xf32>
        %parallel_loop3A_197 = arith.andi %parallel_loop3A_186, %broadcast_in_dim3A_56 : vector<16xi32>
        %parallel_loop3A_198 = vector.bitcast %parallel_loop3A_197 : vector<16xi32> to vector<16xf32>
        %parallel_loop3A_199 = arith.addf %parallel_loop3A_190, %parallel_loop3A_194 : vector<16xf32>
        %parallel_loop3A_200 = arith.mulf %parallel_loop3A_199, %parallel_loop3A_176 : vector<16xf32>
        %parallel_loop3A_201 = arith.addf %parallel_loop3A_200, %get3A_25 : vector<16xf32>
        %parallel_loop3A_202 = arith.index_cast %select_n3A_146 : i32 to index
        %parallel_loop3A_203 = arith.index_cast %parallel_loop3A_170 : i32 to index
        %parallel_loop3A_204 = arith.constant 0 : index
        %parallel_loop3A_205 = tpu.vector_load %arg13[%parallel_loop3A_202, %parallel_loop3A_203, %parallel_loop3A_204] {strides = array<i32>} : memref<2x64x256xf32, #tpu.memory_space<vmem>>, vector<16xf32>,
        tpu.vector_store %arg13[%parallel_loop3A_202, %parallel_loop3A_203, %parallel_loop3A_204], %parallel_loop3A_201 {strides = array<i32>} : memref<2x64x256xf32, #tpu.memory_space<vmem>>, vector<16xf32>,
        %parallel_loop3A_206 = arith.addf %parallel_loop3A_196, %parallel_loop3A_198 : vector<16xf32>
        %parallel_loop3A_207 = arith.mulf %parallel_loop3A_206, %parallel_loop3A_176 : vector<16xf32>
        %parallel_loop3A_208 = arith.addf %parallel_loop3A_207, %get3A_41 : vector<16xf32>
        %parallel_loop3A_209 = arith.index_cast %select_n3A_146 : i32 to index
        %parallel_loop3A_210 = arith.index_cast %parallel_loop3A_170 : i32 to index
        %parallel_loop3A_211 = arith.constant 128 : index
        %parallel_loop3A_212 = tpu.vector_load %arg13[%parallel_loop3A_209, %parallel_loop3A_210, %parallel_loop3A_211] {strides = array<i32>} : memref<2x64x256xf32, #tpu.memory_space<vmem>>, vector<16xf32>,
        tpu.vector_store %arg13[%parallel_loop3A_209, %parallel_loop3A_210, %parallel_loop3A_211], %parallel_loop3A_208 {strides = array<i32>} : memref<2x64x256xf32, #tpu.memory_space<vmem>>, vector<16xf32>,
        %parallel_loop3A_213 = arith.constant 16 : i32
        %parallel_loop3A_214 = vector.broadcast %parallel_loop3A_213 : i32 to vector<16xi32>
        %parallel_loop3A_215 = arith.addi %parallel_loop3A_177, %parallel_loop3A_214 : vector<16xi32>
        %parallel_loop3A_216 = tpu.vector_load_idx %arg8[%parallel_loop3A_174, %parallel_loop3A_215] : memref<32x128xf32, #tpu.memory_space<vmem>>[vector<16xi32>, vector<16xi32>], vector<16xf32>,
        %parallel_loop3A_217 = arith.index_cast %parallel_loop3A_171 : i32 to index
        %parallel_loop3A_218 = arith.constant 16 : index
        %parallel_loop3A_219 = tpu.vector_load %arg9[%parallel_loop3A_217, %parallel_loop3A_218] {strides = array<i32>} : memref<128x128xf32, #tpu.memory_space<vmem>>, vector<16xf32>,
        %parallel_loop3A_220 = vector.bitcast %parallel_loop3A_216 : vector<16xf32> to vector<16xi32>
        %parallel_loop3A_221 = vector.bitcast %parallel_loop3A_219 : vector<16xf32> to vector<16xi32>
        %parallel_loop3A_222 = arith.constant 16 : i32
        %parallel_loop3A_223 = vector.broadcast %parallel_loop3A_222 : i32 to vector<16xi32>
        %parallel_loop3A_224 = arith.shli %parallel_loop3A_220, %parallel_loop3A_223 : vector<16xi32>
        %parallel_loop3A_225 = vector.bitcast %parallel_loop3A_224 : vector<16xi32> to vector<16xf32>
        %parallel_loop3A_226 = arith.constant 16 : i32
        %parallel_loop3A_227 = vector.broadcast %parallel_loop3A_226 : i32 to vector<16xi32>
        %parallel_loop3A_228 = arith.shli %parallel_loop3A_221, %parallel_loop3A_227 : vector<16xi32>
        %parallel_loop3A_229 = vector.bitcast %parallel_loop3A_228 : vector<16xi32> to vector<16xf32>
        %parallel_loop3A_230 = arith.andi %parallel_loop3A_220, %broadcast_in_dim3A_56 : vector<16xi32>
        %parallel_loop3A_231 = vector.bitcast %parallel_loop3A_230 : vector<16xi32> to vector<16xf32>
        %parallel_loop3A_232 = arith.andi %parallel_loop3A_221, %broadcast_in_dim3A_56 : vector<16xi32>
        %parallel_loop3A_233 = vector.bitcast %parallel_loop3A_232 : vector<16xi32> to vector<16xf32>
        %parallel_loop3A_234 = arith.addf %parallel_loop3A_225, %parallel_loop3A_229 : vector<16xf32>
        %parallel_loop3A_235 = arith.mulf %parallel_loop3A_234, %parallel_loop3A_176 : vector<16xf32>
        %parallel_loop3A_236 = arith.addf %parallel_loop3A_235, %get3A_27 : vector<16xf32>
        %parallel_loop3A_237 = arith.index_cast %select_n3A_146 : i32 to index
        %parallel_loop3A_238 = arith.index_cast %parallel_loop3A_170 : i32 to index
        %parallel_loop3A_239 = arith.constant 16 : index
        %parallel_loop3A_240 = tpu.vector_load %arg13[%parallel_loop3A_237, %parallel_loop3A_238, %parallel_loop3A_239] {strides = array<i32>} : memref<2x64x256xf32, #tpu.memory_space<vmem>>, vector<16xf32>,
        tpu.vector_store %arg13[%parallel_loop3A_237, %parallel_loop3A_238, %parallel_loop3A_239], %parallel_loop3A_236 {strides = array<i32>} : memref<2x64x256xf32, #tpu.memory_space<vmem>>, vector<16xf32>,
        %parallel_loop3A_241 = arith.addf %parallel_loop3A_231, %parallel_loop3A_233 : vector<16xf32>
        %parallel_loop3A_242 = arith.mulf %parallel_loop3A_241, %parallel_loop3A_176 : vector<16xf32>
        %parallel_loop3A_243 = arith.addf %parallel_loop3A_242, %get3A_43 : vector<16xf32>
        %parallel_loop3A_244 = arith.index_cast %select_n3A_146 : i32 to index
        %parallel_loop3A_245 = arith.index_cast %parallel_loop3A_170 : i32 to index
        %parallel_loop3A_246 = arith.constant 144 : index
        %parallel_loop3A_247 = tpu.vector_load %arg13[%parallel_loop3A_244, %parallel_loop3A_245, %parallel_loop3A_246] {strides = array<i32>} : memref<2x64x256xf32, #tpu.memory_space<vmem>>, vector<16xf32>,
        tpu.vector_store %arg13[%parallel_loop3A_244, %parallel_loop3A_245, %parallel_loop3A_246], %parallel_loop3A_243 {strides = array<i32>} : memref<2x64x256xf32, #tpu.memory_space<vmem>>, vector<16xf32>,
        %parallel_loop3A_248 = arith.constant 32 : i32
        %parallel_loop3A_249 = vector.broadcast %parallel_loop3A_248 : i32 to vector<16xi32>
        %parallel_loop3A_250 = arith.addi %parallel_loop3A_177, %parallel_loop3A_249 : vector<16xi32>
        %parallel_loop3A_251 = tpu.vector_load_idx %arg8[%parallel_loop3A_174, %parallel_loop3A_250] : memref<32x128xf32, #tpu.memory_space<vmem>>[vector<16xi32>, vector<16xi32>], vector<16xf32>,
        %parallel_loop3A_252 = arith.index_cast %parallel_loop3A_171 : i32 to index
        %parallel_loop3A_253 = arith.constant 32 : index
        %parallel_loop3A_254 = tpu.vector_load %arg9[%parallel_loop3A_252, %parallel_loop3A_253] {strides = array<i32>} : memref<128x128xf32, #tpu.memory_space<vmem>>, vector<16xf32>,
        %parallel_loop3A_255 = vector.bitcast %parallel_loop3A_251 : vector<16xf32> to vector<16xi32>
        %parallel_loop3A_256 = vector.bitcast %parallel_loop3A_254 : vector<16xf32> to vector<16xi32>
        %parallel_loop3A_257 = arith.constant 16 : i32
        %parallel_loop3A_258 = vector.broadcast %parallel_loop3A_257 : i32 to vector<16xi32>
        %parallel_loop3A_259 = arith.shli %parallel_loop3A_255, %parallel_loop3A_258 : vector<16xi32>
        %parallel_loop3A_260 = vector.bitcast %parallel_loop3A_259 : vector<16xi32> to vector<16xf32>
        %parallel_loop3A_261 = arith.constant 16 : i32
        %parallel_loop3A_262 = vector.broadcast %parallel_loop3A_261 : i32 to vector<16xi32>
        %parallel_loop3A_263 = arith.shli %parallel_loop3A_256, %parallel_loop3A_262 : vector<16xi32>
        %parallel_loop3A_264 = vector.bitcast %parallel_loop3A_263 : vector<16xi32> to vector<16xf32>
        %parallel_loop3A_265 = arith.andi %parallel_loop3A_255, %broadcast_in_dim3A_56 : vector<16xi32>
        %parallel_loop3A_266 = vector.bitcast %parallel_loop3A_265 : vector<16xi32> to vector<16xf32>
        %parallel_loop3A_267 = arith.andi %parallel_loop3A_256, %broadcast_in_dim3A_56 : vector<16xi32>
        %parallel_loop3A_268 = vector.bitcast %parallel_loop3A_267 : vector<16xi32> to vector<16xf32>
        %parallel_loop3A_269 = arith.addf %parallel_loop3A_260, %parallel_loop3A_264 : vector<16xf32>
        %parallel_loop3A_270 = arith.mulf %parallel_loop3A_269, %parallel_loop3A_176 : vector<16xf32>
        %parallel_loop3A_271 = arith.addf %parallel_loop3A_270, %get3A_29 : vector<16xf32>
        %parallel_loop3A_272 = arith.index_cast %select_n3A_146 : i32 to index
        %parallel_loop3A_273 = arith.index_cast %parallel_loop3A_170 : i32 to index
        %parallel_loop3A_274 = arith.constant 32 : index
        %parallel_loop3A_275 = tpu.vector_load %arg13[%parallel_loop3A_272, %parallel_loop3A_273, %parallel_loop3A_274] {strides = array<i32>} : memref<2x64x256xf32, #tpu.memory_space<vmem>>, vector<16xf32>,
        tpu.vector_store %arg13[%parallel_loop3A_272, %parallel_loop3A_273, %parallel_loop3A_274], %parallel_loop3A_271 {strides = array<i32>} : memref<2x64x256xf32, #tpu.memory_space<vmem>>, vector<16xf32>,
        %parallel_loop3A_276 = arith.addf %parallel_loop3A_266, %parallel_loop3A_268 : vector<16xf32>
        %parallel_loop3A_277 = arith.mulf %parallel_loop3A_276, %parallel_loop3A_176 : vector<16xf32>
        %parallel_loop3A_278 = arith.addf %parallel_loop3A_277, %get3A_45 : vector<16xf32>
        %parallel_loop3A_279 = arith.index_cast %select_n3A_146 : i32 to index
        %parallel_loop3A_280 = arith.index_cast %parallel_loop3A_170 : i32 to index
        %parallel_loop3A_281 = arith.constant 160 : index
        %parallel_loop3A_282 = tpu.vector_load %arg13[%parallel_loop3A_279, %parallel_loop3A_280, %parallel_loop3A_281] {strides = array<i32>} : memref<2x64x256xf32, #tpu.memory_space<vmem>>, vector<16xf32>,
        tpu.vector_store %arg13[%parallel_loop3A_279, %parallel_loop3A_280, %parallel_loop3A_281], %parallel_loop3A_278 {strides = array<i32>} : memref<2x64x256xf32, #tpu.memory_space<vmem>>, vector<16xf32>,
        %parallel_loop3A_283 = arith.constant 48 : i32
        %parallel_loop3A_284 = vector.broadcast %parallel_loop3A_283 : i32 to vector<16xi32>
        %parallel_loop3A_285 = arith.addi %parallel_loop3A_177, %parallel_loop3A_284 : vector<16xi32>
        %parallel_loop3A_286 = tpu.vector_load_idx %arg8[%parallel_loop3A_174, %parallel_loop3A_285] : memref<32x128xf32, #tpu.memory_space<vmem>>[vector<16xi32>, vector<16xi32>], vector<16xf32>,
        %parallel_loop3A_287 = arith.index_cast %parallel_loop3A_171 : i32 to index
        %parallel_loop3A_288 = arith.constant 48 : index
        %parallel_loop3A_289 = tpu.vector_load %arg9[%parallel_loop3A_287, %parallel_loop3A_288] {strides = array<i32>} : memref<128x128xf32, #tpu.memory_space<vmem>>, vector<16xf32>,
        %parallel_loop3A_290 = vector.bitcast %parallel_loop3A_286 : vector<16xf32> to vector<16xi32>
        %parallel_loop3A_291 = vector.bitcast %parallel_loop3A_289 : vector<16xf32> to vector<16xi32>
        %parallel_loop3A_292 = arith.constant 16 : i32
        %parallel_loop3A_293 = vector.broadcast %parallel_loop3A_292 : i32 to vector<16xi32>
        %parallel_loop3A_294 = arith.shli %parallel_loop3A_290, %parallel_loop3A_293 : vector<16xi32>
        %parallel_loop3A_295 = vector.bitcast %parallel_loop3A_294 : vector<16xi32> to vector<16xf32>
        %parallel_loop3A_296 = arith.constant 16 : i32
        %parallel_loop3A_297 = vector.broadcast %parallel_loop3A_296 : i32 to vector<16xi32>
        %parallel_loop3A_298 = arith.shli %parallel_loop3A_291, %parallel_loop3A_297 : vector<16xi32>
        %parallel_loop3A_299 = vector.bitcast %parallel_loop3A_298 : vector<16xi32> to vector<16xf32>
        %parallel_loop3A_300 = arith.andi %parallel_loop3A_290, %broadcast_in_dim3A_56 : vector<16xi32>
        %parallel_loop3A_301 = vector.bitcast %parallel_loop3A_300 : vector<16xi32> to vector<16xf32>
        %parallel_loop3A_302 = arith.andi %parallel_loop3A_291, %broadcast_in_dim3A_56 : vector<16xi32>
        %parallel_loop3A_303 = vector.bitcast %parallel_loop3A_302 : vector<16xi32> to vector<16xf32>
        %parallel_loop3A_304 = arith.addf %parallel_loop3A_295, %parallel_loop3A_299 : vector<16xf32>
        %parallel_loop3A_305 = arith.mulf %parallel_loop3A_304, %parallel_loop3A_176 : vector<16xf32>
        %parallel_loop3A_306 = arith.addf %parallel_loop3A_305, %get3A_31 : vector<16xf32>
        %parallel_loop3A_307 = arith.index_cast %select_n3A_146 : i32 to index
        %parallel_loop3A_308 = arith.index_cast %parallel_loop3A_170 : i32 to index
        %parallel_loop3A_309 = arith.constant 48 : index
        %parallel_loop3A_310 = tpu.vector_load %arg13[%parallel_loop3A_307, %parallel_loop3A_308, %parallel_loop3A_309] {strides = array<i32>} : memref<2x64x256xf32, #tpu.memory_space<vmem>>, vector<16xf32>,
        tpu.vector_store %arg13[%parallel_loop3A_307, %parallel_loop3A_308, %parallel_loop3A_309], %parallel_loop3A_306 {strides = array<i32>} : memref<2x64x256xf32, #tpu.memory_space<vmem>>, vector<16xf32>,
        %parallel_loop3A_311 = arith.addf %parallel_loop3A_301, %parallel_loop3A_303 : vector<16xf32>
        %parallel_loop3A_312 = arith.mulf %parallel_loop3A_311, %parallel_loop3A_176 : vector<16xf32>
        %parallel_loop3A_313 = arith.addf %parallel_loop3A_312, %get3A_47 : vector<16xf32>
        %parallel_loop3A_314 = arith.index_cast %select_n3A_146 : i32 to index
        %parallel_loop3A_315 = arith.index_cast %parallel_loop3A_170 : i32 to index
        %parallel_loop3A_316 = arith.constant 176 : index
        %parallel_loop3A_317 = tpu.vector_load %arg13[%parallel_loop3A_314, %parallel_loop3A_315, %parallel_loop3A_316] {strides = array<i32>} : memref<2x64x256xf32, #tpu.memory_space<vmem>>, vector<16xf32>,
        tpu.vector_store %arg13[%parallel_loop3A_314, %parallel_loop3A_315, %parallel_loop3A_316], %parallel_loop3A_313 {strides = array<i32>} : memref<2x64x256xf32, #tpu.memory_space<vmem>>, vector<16xf32>,
        %parallel_loop3A_318 = arith.constant 64 : i32
        %parallel_loop3A_319 = vector.broadcast %parallel_loop3A_318 : i32 to vector<16xi32>
        %parallel_loop3A_320 = arith.addi %parallel_loop3A_177, %parallel_loop3A_319 : vector<16xi32>
        %parallel_loop3A_321 = tpu.vector_load_idx %arg8[%parallel_loop3A_174, %parallel_loop3A_320] : memref<32x128xf32, #tpu.memory_space<vmem>>[vector<16xi32>, vector<16xi32>], vector<16xf32>,
        %parallel_loop3A_322 = arith.index_cast %parallel_loop3A_171 : i32 to index
        %parallel_loop3A_323 = arith.constant 64 : index
        %parallel_loop3A_324 = tpu.vector_load %arg9[%parallel_loop3A_322, %parallel_loop3A_323] {strides = array<i32>} : memref<128x128xf32, #tpu.memory_space<vmem>>, vector<16xf32>,
        %parallel_loop3A_325 = vector.bitcast %parallel_loop3A_321 : vector<16xf32> to vector<16xi32>
        %parallel_loop3A_326 = vector.bitcast %parallel_loop3A_324 : vector<16xf32> to vector<16xi32>
        %parallel_loop3A_327 = arith.constant 16 : i32
        %parallel_loop3A_328 = vector.broadcast %parallel_loop3A_327 : i32 to vector<16xi32>
        %parallel_loop3A_329 = arith.shli %parallel_loop3A_325, %parallel_loop3A_328 : vector<16xi32>
        %parallel_loop3A_330 = vector.bitcast %parallel_loop3A_329 : vector<16xi32> to vector<16xf32>
        %parallel_loop3A_331 = arith.constant 16 : i32
        %parallel_loop3A_332 = vector.broadcast %parallel_loop3A_331 : i32 to vector<16xi32>
        %parallel_loop3A_333 = arith.shli %parallel_loop3A_326, %parallel_loop3A_332 : vector<16xi32>
        %parallel_loop3A_334 = vector.bitcast %parallel_loop3A_333 : vector<16xi32> to vector<16xf32>
        %parallel_loop3A_335 = arith.andi %parallel_loop3A_325, %broadcast_in_dim3A_56 : vector<16xi32>
        %parallel_loop3A_336 = vector.bitcast %parallel_loop3A_335 : vector<16xi32> to vector<16xf32>
        %parallel_loop3A_337 = arith.andi %parallel_loop3A_326, %broadcast_in_dim3A_56 : vector<16xi32>
        %parallel_loop3A_338 = vector.bitcast %parallel_loop3A_337 : vector<16xi32> to vector<16xf32>
        %parallel_loop3A_339 = arith.addf %parallel_loop3A_330, %parallel_loop3A_334 : vector<16xf32>
        %parallel_loop3A_340 = arith.mulf %parallel_loop3A_339, %parallel_loop3A_176 : vector<16xf32>
        %parallel_loop3A_341 = arith.addf %parallel_loop3A_340, %get3A_33 : vector<16xf32>
        %parallel_loop3A_342 = arith.index_cast %select_n3A_146 : i32 to index
        %parallel_loop3A_343 = arith.index_cast %parallel_loop3A_170 : i32 to index
        %parallel_loop3A_344 = arith.constant 64 : index
        %parallel_loop3A_345 = tpu.vector_load %arg13[%parallel_loop3A_342, %parallel_loop3A_343, %parallel_loop3A_344] {strides = array<i32>} : memref<2x64x256xf32, #tpu.memory_space<vmem>>, vector<16xf32>,
        tpu.vector_store %arg13[%parallel_loop3A_342, %parallel_loop3A_343, %parallel_loop3A_344], %parallel_loop3A_341 {strides = array<i32>} : memref<2x64x256xf32, #tpu.memory_space<vmem>>, vector<16xf32>,
        %parallel_loop3A_346 = arith.addf %parallel_loop3A_336, %parallel_loop3A_338 : vector<16xf32>
        %parallel_loop3A_347 = arith.mulf %parallel_loop3A_346, %parallel_loop3A_176 : vector<16xf32>
        %parallel_loop3A_348 = arith.addf %parallel_loop3A_347, %get3A_49 : vector<16xf32>
        %parallel_loop3A_349 = arith.index_cast %select_n3A_146 : i32 to index
        %parallel_loop3A_350 = arith.index_cast %parallel_loop3A_170 : i32 to index
        %parallel_loop3A_351 = arith.constant 192 : index
        %parallel_loop3A_352 = tpu.vector_load %arg13[%parallel_loop3A_349, %parallel_loop3A_350, %parallel_loop3A_351] {strides = array<i32>} : memref<2x64x256xf32, #tpu.memory_space<vmem>>, vector<16xf32>,
        tpu.vector_store %arg13[%parallel_loop3A_349, %parallel_loop3A_350, %parallel_loop3A_351], %parallel_loop3A_348 {strides = array<i32>} : memref<2x64x256xf32, #tpu.memory_space<vmem>>, vector<16xf32>,
        %parallel_loop3A_353 = arith.constant 80 : i32
        %parallel_loop3A_354 = vector.broadcast %parallel_loop3A_353 : i32 to vector<16xi32>
        %parallel_loop3A_355 = arith.addi %parallel_loop3A_177, %parallel_loop3A_354 : vector<16xi32>
        %parallel_loop3A_356 = tpu.vector_load_idx %arg8[%parallel_loop3A_174, %parallel_loop3A_355] : memref<32x128xf32, #tpu.memory_space<vmem>>[vector<16xi32>, vector<16xi32>], vector<16xf32>,
        %parallel_loop3A_357 = arith.index_cast %parallel_loop3A_171 : i32 to index
        %parallel_loop3A_358 = arith.constant 80 : index
        %parallel_loop3A_359 = tpu.vector_load %arg9[%parallel_loop3A_357, %parallel_loop3A_358] {strides = array<i32>} : memref<128x128xf32, #tpu.memory_space<vmem>>, vector<16xf32>,
        %parallel_loop3A_360 = vector.bitcast %parallel_loop3A_356 : vector<16xf32> to vector<16xi32>
        %parallel_loop3A_361 = vector.bitcast %parallel_loop3A_359 : vector<16xf32> to vector<16xi32>
        %parallel_loop3A_362 = arith.constant 16 : i32
        %parallel_loop3A_363 = vector.broadcast %parallel_loop3A_362 : i32 to vector<16xi32>
        %parallel_loop3A_364 = arith.shli %parallel_loop3A_360, %parallel_loop3A_363 : vector<16xi32>
        %parallel_loop3A_365 = vector.bitcast %parallel_loop3A_364 : vector<16xi32> to vector<16xf32>
        %parallel_loop3A_366 = arith.constant 16 : i32
        %parallel_loop3A_367 = vector.broadcast %parallel_loop3A_366 : i32 to vector<16xi32>
        %parallel_loop3A_368 = arith.shli %parallel_loop3A_361, %parallel_loop3A_367 : vector<16xi32>
        %parallel_loop3A_369 = vector.bitcast %parallel_loop3A_368 : vector<16xi32> to vector<16xf32>
        %parallel_loop3A_370 = arith.andi %parallel_loop3A_360, %broadcast_in_dim3A_56 : vector<16xi32>
        %parallel_loop3A_371 = vector.bitcast %parallel_loop3A_370 : vector<16xi32> to vector<16xf32>
        %parallel_loop3A_372 = arith.andi %parallel_loop3A_361, %broadcast_in_dim3A_56 : vector<16xi32>
        %parallel_loop3A_373 = vector.bitcast %parallel_loop3A_372 : vector<16xi32> to vector<16xf32>
        %parallel_loop3A_374 = arith.addf %parallel_loop3A_365, %parallel_loop3A_369 : vector<16xf32>
        %parallel_loop3A_375 = arith.mulf %parallel_loop3A_374, %parallel_loop3A_176 : vector<16xf32>
        %parallel_loop3A_376 = arith.addf %parallel_loop3A_375, %get3A_35 : vector<16xf32>
        %parallel_loop3A_377 = arith.index_cast %select_n3A_146 : i32 to index
        %parallel_loop3A_378 = arith.index_cast %parallel_loop3A_170 : i32 to index
        %parallel_loop3A_379 = arith.constant 80 : index
        %parallel_loop3A_380 = tpu.vector_load %arg13[%parallel_loop3A_377, %parallel_loop3A_378, %parallel_loop3A_379] {strides = array<i32>} : memref<2x64x256xf32, #tpu.memory_space<vmem>>, vector<16xf32>,
        tpu.vector_store %arg13[%parallel_loop3A_377, %parallel_loop3A_378, %parallel_loop3A_379], %parallel_loop3A_376 {strides = array<i32>} : memref<2x64x256xf32, #tpu.memory_space<vmem>>, vector<16xf32>,
        %parallel_loop3A_381 = arith.addf %parallel_loop3A_371, %parallel_loop3A_373 : vector<16xf32>
        %parallel_loop3A_382 = arith.mulf %parallel_loop3A_381, %parallel_loop3A_176 : vector<16xf32>
        %parallel_loop3A_383 = arith.addf %parallel_loop3A_382, %get3A_51 : vector<16xf32>
        %parallel_loop3A_384 = arith.index_cast %select_n3A_146 : i32 to index
        %parallel_loop3A_385 = arith.index_cast %parallel_loop3A_170 : i32 to index
        %parallel_loop3A_386 = arith.constant 208 : index
        %parallel_loop3A_387 = tpu.vector_load %arg13[%parallel_loop3A_384, %parallel_loop3A_385, %parallel_loop3A_386] {strides = array<i32>} : memref<2x64x256xf32, #tpu.memory_space<vmem>>, vector<16xf32>,
        tpu.vector_store %arg13[%parallel_loop3A_384, %parallel_loop3A_385, %parallel_loop3A_386], %parallel_loop3A_383 {strides = array<i32>} : memref<2x64x256xf32, #tpu.memory_space<vmem>>, vector<16xf32>,
        %parallel_loop3A_388 = arith.constant 96 : i32
        %parallel_loop3A_389 = vector.broadcast %parallel_loop3A_388 : i32 to vector<16xi32>
        %parallel_loop3A_390 = arith.addi %parallel_loop3A_177, %parallel_loop3A_389 : vector<16xi32>
        %parallel_loop3A_391 = tpu.vector_load_idx %arg8[%parallel_loop3A_174, %parallel_loop3A_390] : memref<32x128xf32, #tpu.memory_space<vmem>>[vector<16xi32>, vector<16xi32>], vector<16xf32>,
        %parallel_loop3A_392 = arith.index_cast %parallel_loop3A_171 : i32 to index
        %parallel_loop3A_393 = arith.constant 96 : index
        %parallel_loop3A_394 = tpu.vector_load %arg9[%parallel_loop3A_392, %parallel_loop3A_393] {strides = array<i32>} : memref<128x128xf32, #tpu.memory_space<vmem>>, vector<16xf32>,
        %parallel_loop3A_395 = vector.bitcast %parallel_loop3A_391 : vector<16xf32> to vector<16xi32>
        %parallel_loop3A_396 = vector.bitcast %parallel_loop3A_394 : vector<16xf32> to vector<16xi32>
        %parallel_loop3A_397 = arith.constant 16 : i32
        %parallel_loop3A_398 = vector.broadcast %parallel_loop3A_397 : i32 to vector<16xi32>
        %parallel_loop3A_399 = arith.shli %parallel_loop3A_395, %parallel_loop3A_398 : vector<16xi32>
        %parallel_loop3A_400 = vector.bitcast %parallel_loop3A_399 : vector<16xi32> to vector<16xf32>
        %parallel_loop3A_401 = arith.constant 16 : i32
        %parallel_loop3A_402 = vector.broadcast %parallel_loop3A_401 : i32 to vector<16xi32>
        %parallel_loop3A_403 = arith.shli %parallel_loop3A_396, %parallel_loop3A_402 : vector<16xi32>
        %parallel_loop3A_404 = vector.bitcast %parallel_loop3A_403 : vector<16xi32> to vector<16xf32>
        %parallel_loop3A_405 = arith.andi %parallel_loop3A_395, %broadcast_in_dim3A_56 : vector<16xi32>
        %parallel_loop3A_406 = vector.bitcast %parallel_loop3A_405 : vector<16xi32> to vector<16xf32>
        %parallel_loop3A_407 = arith.andi %parallel_loop3A_396, %broadcast_in_dim3A_56 : vector<16xi32>
        %parallel_loop3A_408 = vector.bitcast %parallel_loop3A_407 : vector<16xi32> to vector<16xf32>
        %parallel_loop3A_409 = arith.addf %parallel_loop3A_400, %parallel_loop3A_404 : vector<16xf32>
        %parallel_loop3A_410 = arith.mulf %parallel_loop3A_409, %parallel_loop3A_176 : vector<16xf32>
        %parallel_loop3A_411 = arith.addf %parallel_loop3A_410, %get3A_37 : vector<16xf32>
        %parallel_loop3A_412 = arith.index_cast %select_n3A_146 : i32 to index
        %parallel_loop3A_413 = arith.index_cast %parallel_loop3A_170 : i32 to index
        %parallel_loop3A_414 = arith.constant 96 : index
        %parallel_loop3A_415 = tpu.vector_load %arg13[%parallel_loop3A_412, %parallel_loop3A_413, %parallel_loop3A_414] {strides = array<i32>} : memref<2x64x256xf32, #tpu.memory_space<vmem>>, vector<16xf32>,
        tpu.vector_store %arg13[%parallel_loop3A_412, %parallel_loop3A_413, %parallel_loop3A_414], %parallel_loop3A_411 {strides = array<i32>} : memref<2x64x256xf32, #tpu.memory_space<vmem>>, vector<16xf32>,
        %parallel_loop3A_416 = arith.addf %parallel_loop3A_406, %parallel_loop3A_408 : vector<16xf32>
        %parallel_loop3A_417 = arith.mulf %parallel_loop3A_416, %parallel_loop3A_176 : vector<16xf32>
        %parallel_loop3A_418 = arith.addf %parallel_loop3A_417, %get3A_53 : vector<16xf32>
        %parallel_loop3A_419 = arith.index_cast %select_n3A_146 : i32 to index
        %parallel_loop3A_420 = arith.index_cast %parallel_loop3A_170 : i32 to index
        %parallel_loop3A_421 = arith.constant 224 : index
        %parallel_loop3A_422 = tpu.vector_load %arg13[%parallel_loop3A_419, %parallel_loop3A_420, %parallel_loop3A_421] {strides = array<i32>} : memref<2x64x256xf32, #tpu.memory_space<vmem>>, vector<16xf32>,
        tpu.vector_store %arg13[%parallel_loop3A_419, %parallel_loop3A_420, %parallel_loop3A_421], %parallel_loop3A_418 {strides = array<i32>} : memref<2x64x256xf32, #tpu.memory_space<vmem>>, vector<16xf32>,
        %parallel_loop3A_423 = arith.constant 112 : i32
        %parallel_loop3A_424 = vector.broadcast %parallel_loop3A_423 : i32 to vector<16xi32>
        %parallel_loop3A_425 = arith.addi %parallel_loop3A_177, %parallel_loop3A_424 : vector<16xi32>
        %parallel_loop3A_426 = tpu.vector_load_idx %arg8[%parallel_loop3A_174, %parallel_loop3A_425] : memref<32x128xf32, #tpu.memory_space<vmem>>[vector<16xi32>, vector<16xi32>], vector<16xf32>,
        %parallel_loop3A_427 = arith.index_cast %parallel_loop3A_171 : i32 to index
        %parallel_loop3A_428 = arith.constant 112 : index
        %parallel_loop3A_429 = tpu.vector_load %arg9[%parallel_loop3A_427, %parallel_loop3A_428] {strides = array<i32>} : memref<128x128xf32, #tpu.memory_space<vmem>>, vector<16xf32>,
        %parallel_loop3A_430 = vector.bitcast %parallel_loop3A_426 : vector<16xf32> to vector<16xi32>
        %parallel_loop3A_431 = vector.bitcast %parallel_loop3A_429 : vector<16xf32> to vector<16xi32>
        %parallel_loop3A_432 = arith.constant 16 : i32
        %parallel_loop3A_433 = vector.broadcast %parallel_loop3A_432 : i32 to vector<16xi32>
        %parallel_loop3A_434 = arith.shli %parallel_loop3A_430, %parallel_loop3A_433 : vector<16xi32>
        %parallel_loop3A_435 = vector.bitcast %parallel_loop3A_434 : vector<16xi32> to vector<16xf32>
        %parallel_loop3A_436 = arith.constant 16 : i32
        %parallel_loop3A_437 = vector.broadcast %parallel_loop3A_436 : i32 to vector<16xi32>
        %parallel_loop3A_438 = arith.shli %parallel_loop3A_431, %parallel_loop3A_437 : vector<16xi32>
        %parallel_loop3A_439 = vector.bitcast %parallel_loop3A_438 : vector<16xi32> to vector<16xf32>
        %parallel_loop3A_440 = arith.andi %parallel_loop3A_430, %broadcast_in_dim3A_56 : vector<16xi32>
        %parallel_loop3A_441 = vector.bitcast %parallel_loop3A_440 : vector<16xi32> to vector<16xf32>
        %parallel_loop3A_442 = arith.andi %parallel_loop3A_431, %broadcast_in_dim3A_56 : vector<16xi32>
        %parallel_loop3A_443 = vector.bitcast %parallel_loop3A_442 : vector<16xi32> to vector<16xf32>
        %parallel_loop3A_444 = arith.addf %parallel_loop3A_435, %parallel_loop3A_439 : vector<16xf32>
        %parallel_loop3A_445 = arith.mulf %parallel_loop3A_444, %parallel_loop3A_176 : vector<16xf32>
        %parallel_loop3A_446 = arith.addf %parallel_loop3A_445, %get3A_39 : vector<16xf32>
        %parallel_loop3A_447 = arith.index_cast %select_n3A_146 : i32 to index
        %parallel_loop3A_448 = arith.index_cast %parallel_loop3A_170 : i32 to index
        %parallel_loop3A_449 = arith.constant 112 : index
        %parallel_loop3A_450 = tpu.vector_load %arg13[%parallel_loop3A_447, %parallel_loop3A_448, %parallel_loop3A_449] {strides = array<i32>} : memref<2x64x256xf32, #tpu.memory_space<vmem>>, vector<16xf32>,
        tpu.vector_store %arg13[%parallel_loop3A_447, %parallel_loop3A_448, %parallel_loop3A_449], %parallel_loop3A_446 {strides = array<i32>} : memref<2x64x256xf32, #tpu.memory_space<vmem>>, vector<16xf32>,
        %parallel_loop3A_451 = arith.addf %parallel_loop3A_441, %parallel_loop3A_443 : vector<16xf32>
        %parallel_loop3A_452 = arith.mulf %parallel_loop3A_451, %parallel_loop3A_176 : vector<16xf32>
        %parallel_loop3A_453 = arith.addf %parallel_loop3A_452, %get3A_55 : vector<16xf32>
        %parallel_loop3A_454 = arith.index_cast %select_n3A_146 : i32 to index
        %parallel_loop3A_455 = arith.index_cast %parallel_loop3A_170 : i32 to index
        %parallel_loop3A_456 = arith.constant 240 : index
        %parallel_loop3A_457 = tpu.vector_load %arg13[%parallel_loop3A_454, %parallel_loop3A_455, %parallel_loop3A_456] {strides = array<i32>} : memref<2x64x256xf32, #tpu.memory_space<vmem>>, vector<16xf32>,
        tpu.vector_store %arg13[%parallel_loop3A_454, %parallel_loop3A_455, %parallel_loop3A_456], %parallel_loop3A_453 {strides = array<i32>} : memref<2x64x256xf32, #tpu.memory_space<vmem>>, vector<16xf32>,
      } {sc.loop_unroll_factor = 2 : i64, sc.parallel_access}
      %add3A_153 = arith.addi %mul3A_2, %mul3A_148 : i32
      %dma_start3A_154 = arith.constant 0 : i32
      %dma_start3A_155 = arith.constant 0 : i32
      %dma_start3A_156 = tpu.memref_slice %arg13[%select_n3A_146, %dma_start3A_154, %dma_start3A_155] : memref<2x64x256xf32, #tpu.memory_space<vmem>> -> memref<1x64x256xf32, #tpu.memory_space<vmem>>
      %dma_start3A_157 = tpu.memref_squeeze %dma_start3A_156 : memref<1x64x256xf32, #tpu.memory_space<vmem>> -> memref<64x256xf32, #tpu.memory_space<vmem>>
      %dma_start3A_158 = arith.constant 0 : i32
      %dma_start3A_159 = tpu.memref_slice %arg7[%select_n3A, %add3A_153, %dma_start3A_158] : memref<16x4096x256xf32, #tpu.memory_space<hbm>> -> memref<1x64x256xf32, #tpu.memory_space<hbm>>
      %dma_start3A_160 = tpu.memref_squeeze %dma_start3A_159 : memref<1x64x256xf32, #tpu.memory_space<hbm>> -> memref<64x256xf32, #tpu.memory_space<hbm>>
      %dma_start3A_161 = tpu.memref_slice %arg14[%select_n3A_146] : memref<2x!tpu.dma_semaphore, #tpu.memory_space<semaphore_mem>> -> memref<1x!tpu.dma_semaphore, #tpu.memory_space<semaphore_mem>>
      %dma_start3A_162 = tpu.memref_squeeze %dma_start3A_161 : memref<1x!tpu.dma_semaphore, #tpu.memory_space<semaphore_mem>> -> memref<!tpu.dma_semaphore, #tpu.memory_space<semaphore_mem>>
      %dma_start3A_163 = arith.constant 0 : i32
      %dma_start3A_164 = tpu.memref_slice %arg7[%select_n3A, %add3A_153, %dma_start3A_163] : memref<16x4096x256xf32, #tpu.memory_space<hbm>> -> memref<1x64x256xf32, #tpu.memory_space<hbm>>
      %dma_start3A_165 = tpu.memref_squeeze %dma_start3A_164 : memref<1x64x256xf32, #tpu.memory_space<hbm>> -> memref<64x256xf32, #tpu.memory_space<hbm>>
      %dma_start3A_166 = arith.constant 0 : i32
      %dma_start3A_167 = arith.constant 0 : i32
      %dma_start3A_168 = tpu.memref_slice %arg13[%select_n3A_146, %dma_start3A_166, %dma_start3A_167] : memref<2x64x256xf32, #tpu.memory_space<vmem>> -> memref<1x64x256xf32, #tpu.memory_space<vmem>>
      %dma_start3A_169 = tpu.memref_squeeze %dma_start3A_168 : memref<1x64x256xf32, #tpu.memory_space<vmem>> -> memref<64x256xf32, #tpu.memory_space<vmem>>
      tpu.enqueue_dma source(%dma_start3A_169 : memref<64x256xf32, #tpu.memory_space<vmem>>) target(%dma_start3A_165 : memref<64x256xf32, #tpu.memory_space<hbm>>) target_semaphore(%dma_start3A_162 : memref<!tpu.dma_semaphore, #tpu.memory_space<semaphore_mem>>)
    }
    %scan3A_61 = arith.constant 32 : i32
    %dma_wait3A_62 = arith.constant 0 : i32
    %dma_wait3A_63 = arith.constant 0 : i32
    %dma_wait3A_64 = arith.constant 0 : i32
    %dma_wait3A_65 = arith.constant 0 : i32
    %dma_wait3A_66 = arith.constant 0 : i32
    %dma_wait3A_67 = tpu.memref_slice %arg13[%dma_wait3A_62, %dma_wait3A_65, %dma_wait3A_66] : memref<2x64x256xf32, #tpu.memory_space<vmem>> -> memref<1x64x256xf32, #tpu.memory_space<vmem>>
    %dma_wait3A_68 = tpu.memref_squeeze %dma_wait3A_67 : memref<1x64x256xf32, #tpu.memory_space<vmem>> -> memref<64x256xf32, #tpu.memory_space<vmem>>
    %dma_wait3A_69 = arith.constant 0 : i32
    %dma_wait3A_70 = tpu.memref_slice %arg7[%dma_wait3A_63, %mul3A_2, %dma_wait3A_69] : memref<16x4096x256xf32, #tpu.memory_space<hbm>> -> memref<1x64x256xf32, #tpu.memory_space<hbm>>
    %dma_wait3A_71 = tpu.memref_squeeze %dma_wait3A_70 : memref<1x64x256xf32, #tpu.memory_space<hbm>> -> memref<64x256xf32, #tpu.memory_space<hbm>>
    %dma_wait3A_72 = tpu.memref_slice %arg14[%dma_wait3A_64] : memref<2x!tpu.dma_semaphore, #tpu.memory_space<semaphore_mem>> -> memref<1x!tpu.dma_semaphore, #tpu.memory_space<semaphore_mem>>
    %dma_wait3A_73 = tpu.memref_squeeze %dma_wait3A_72 : memref<1x!tpu.dma_semaphore, #tpu.memory_space<semaphore_mem>> -> memref<!tpu.dma_semaphore, #tpu.memory_space<semaphore_mem>>
    %dma_wait3A_74 = arith.constant 0 : i32
    %dma_wait3A_75 = tpu.memref_slice %arg7[%dma_wait3A_63, %mul3A_2, %dma_wait3A_74] : memref<16x4096x256xf32, #tpu.memory_space<hbm>> -> memref<1x64x256xf32, #tpu.memory_space<hbm>>
    %dma_wait3A_76 = tpu.memref_squeeze %dma_wait3A_75 : memref<1x64x256xf32, #tpu.memory_space<hbm>> -> memref<64x256xf32, #tpu.memory_space<hbm>>
    %dma_wait3A_77 = arith.constant 0 : i32
    %dma_wait3A_78 = arith.constant 0 : i32
    %dma_wait3A_79 = tpu.memref_slice %arg13[%dma_wait3A_62, %dma_wait3A_77, %dma_wait3A_78] : memref<2x64x256xf32, #tpu.memory_space<vmem>> -> memref<1x64x256xf32, #tpu.memory_space<vmem>>
    %dma_wait3A_80 = tpu.memref_squeeze %dma_wait3A_79 : memref<1x64x256xf32, #tpu.memory_space<vmem>> -> memref<64x256xf32, #tpu.memory_space<vmem>>
    tpu.wait_dma2 semaphore(%dma_wait3A_73 : memref<!tpu.dma_semaphore, #tpu.memory_space<semaphore_mem>>) src(%dma_wait3A_80 : memref<64x256xf32, #tpu.memory_space<vmem>>) dst(%dma_wait3A_76 : memref<64x256xf32, #tpu.memory_space<hbm>>)
    %dma_wait3A_81 = arith.constant 1 : i32
    %dma_wait3A_82 = arith.constant 0 : i32
    %dma_wait3A_83 = arith.constant 1 : i32
    %dma_wait3A_84 = arith.constant 0 : i32
    %dma_wait3A_85 = arith.constant 0 : i32
    %dma_wait3A_86 = tpu.memref_slice %arg13[%dma_wait3A_81, %dma_wait3A_84, %dma_wait3A_85] : memref<2x64x256xf32, #tpu.memory_space<vmem>> -> memref<1x64x256xf32, #tpu.memory_space<vmem>>
    %dma_wait3A_87 = tpu.memref_squeeze %dma_wait3A_86 : memref<1x64x256xf32, #tpu.memory_space<vmem>> -> memref<64x256xf32, #tpu.memory_space<vmem>>
    %dma_wait3A_88 = arith.constant 0 : i32
    %dma_wait3A_89 = tpu.memref_slice %arg7[%dma_wait3A_82, %mul3A_2, %dma_wait3A_88] : memref<16x4096x256xf32, #tpu.memory_space<hbm>> -> memref<1x64x256xf32, #tpu.memory_space<hbm>>
    %dma_wait3A_90 = tpu.memref_squeeze %dma_wait3A_89 : memref<1x64x256xf32, #tpu.memory_space<hbm>> -> memref<64x256xf32, #tpu.memory_space<hbm>>
    %dma_wait3A_91 = tpu.memref_slice %arg14[%dma_wait3A_83] : memref<2x!tpu.dma_semaphore, #tpu.memory_space<semaphore_mem>> -> memref<1x!tpu.dma_semaphore, #tpu.memory_space<semaphore_mem>>
    %dma_wait3A_92 = tpu.memref_squeeze %dma_wait3A_91 : memref<1x!tpu.dma_semaphore, #tpu.memory_space<semaphore_mem>> -> memref<!tpu.dma_semaphore, #tpu.memory_space<semaphore_mem>>
    %dma_wait3A_93 = arith.constant 0 : i32
    %dma_wait3A_94 = tpu.memref_slice %arg7[%dma_wait3A_82, %mul3A_2, %dma_wait3A_93] : memref<16x4096x256xf32, #tpu.memory_space<hbm>> -> memref<1x64x256xf32, #tpu.memory_space<hbm>>
    %dma_wait3A_95 = tpu.memref_squeeze %dma_wait3A_94 : memref<1x64x256xf32, #tpu.memory_space<hbm>> -> memref<64x256xf32, #tpu.memory_space<hbm>>
    %dma_wait3A_96 = arith.constant 0 : i32
    %dma_wait3A_97 = arith.constant 0 : i32
    %dma_wait3A_98 = tpu.memref_slice %arg13[%dma_wait3A_81, %dma_wait3A_96, %dma_wait3A_97] : memref<2x64x256xf32, #tpu.memory_space<vmem>> -> memref<1x64x256xf32, #tpu.memory_space<vmem>>
    %dma_wait3A_99 = tpu.memref_squeeze %dma_wait3A_98 : memref<1x64x256xf32, #tpu.memory_space<vmem>> -> memref<64x256xf32, #tpu.memory_space<vmem>>
    tpu.wait_dma2 semaphore(%dma_wait3A_92 : memref<!tpu.dma_semaphore, #tpu.memory_space<semaphore_mem>>) src(%dma_wait3A_99 : memref<64x256xf32, #tpu.memory_space<vmem>>) dst(%dma_wait3A_95 : memref<64x256xf32, #tpu.memory_space<hbm>>)
    return
  }
}

module attributes {stable_mosaic.version = 14 : i64} {
  func.func @_tc_stats_body(%arg0: i32, %arg1: memref<512x256xf32, #tpu.memory_space<vmem>>, %arg2: memref<32x256xf32, #tpu.memory_space<vmem>>, %arg3: memref<8x32xf32, #tpu.memory_space<vmem>>, %arg4: memref<512x1xf32, #tpu.memory_space<vmem>>, %arg5: memref<512x1xf32, #tpu.memory_space<vmem>>, %arg6: memref<1x256xf32, #tpu.memory_space<vmem>>, %arg7: memref<512x32xf32, #tpu.memory_space<vmem>>, %arg8: memref<512x128xf32, #tpu.memory_space<vmem>>) attributes {dimension_semantics = [#tpu.dimension_semantics<arbitrary>], iteration_bounds = array<i64: 8>, scalar_prefetch = 0 : i64, scratch_operands = 0 : i64, tpu.core_type = #tpu.core_type<tc>, window_params = [{transform_indices = @transform_0, window_bounds = array<i64: 512, 256>}, {pipeline_mode = #tpu.pipeline_mode<synchronous>, transform_indices = @transform_1, window_bounds = array<i64: 32, 256>}, {pipeline_mode = #tpu.pipeline_mode<synchronous>, transform_indices = @transform_2, window_bounds = array<i64: 8, 32>}, {transform_indices = @transform_3, window_bounds = array<i64: 512, 1>}, {transform_indices = @transform_4, window_bounds = array<i64: 512, 1>}, {pipeline_mode = #tpu.pipeline_mode<synchronous>, transform_indices = @transform_5, window_bounds = array<i64: 1, 256>}, {transform_indices = @transform_6, window_bounds = array<i64: 512, 32>}, {transform_indices = @transform_7, window_bounds = array<i64: 512, 128>}]} {
    %get3A = arith.constant 0 : index
    %get3A_0 = arith.constant 0 : index
    %get3A_1 = vector.load %arg1[%get3A, %get3A_0] : memref<512x256xf32, #tpu.memory_space<vmem>>, vector<512x256xf32>
    %get3A_2 = arith.constant 0 : index
    %get3A_3 = arith.constant 0 : index
    %get3A_4 = vector.load %arg2[%get3A_2, %get3A_3] : memref<32x256xf32, #tpu.memory_space<vmem>>, vector<32x256xf32>
    %dot_general3A = arith.constant dense<0.000000e+00> : vector<512x32xf32>
    %dot_general3A_5 = tpu.matmul %get3A_1, %get3A_4, %dot_general3A {dimension_numbers = #tpu.dot_dimension_numbers<[1], [1], [0], [0], [0, 0, 1, 0], [], []>, transpose_lhs_hint = false} : vector<512x256xf32>, vector<32x256xf32>, vector<512x32xf32> -> vector<512x32xf32>
    %get3A_6 = arith.constant 0 : index
    %get3A_7 = arith.constant 0 : index
    %get3A_8 = vector.load %arg3[%get3A_6, %get3A_7] : memref<8x32xf32, #tpu.memory_space<vmem>>, vector<1x32xf32>
    %get3A_9 = vector.shape_cast %get3A_8 : vector<1x32xf32> to vector<32xf32>
    %broadcast_in_dim3A = vector.shape_cast %get3A_9 : vector<32xf32> to vector<1x32xf32>
    %get3A_10 = arith.constant 1 : index
    %get3A_11 = arith.constant 0 : index
    %get3A_12 = vector.load %arg3[%get3A_10, %get3A_11] : memref<8x32xf32, #tpu.memory_space<vmem>>, vector<1x32xf32>
    %get3A_13 = vector.shape_cast %get3A_12 : vector<1x32xf32> to vector<32xf32>
    %broadcast_in_dim3A_14 = vector.shape_cast %get3A_13 : vector<32xf32> to vector<1x32xf32>
    %get3A_15 = arith.constant 0 : index
    %get3A_16 = arith.constant 0 : index
    %get3A_17 = vector.load %arg4[%get3A_15, %get3A_16] : memref<512x1xf32, #tpu.memory_space<vmem>>, vector<512x1xf32>
    %add3A = vector.broadcast %get3A_17 : vector<512x1xf32> to vector<512x32xf32>
    %add3A_18 = vector.broadcast %broadcast_in_dim3A : vector<1x32xf32> to vector<512x32xf32>
    %add3A_19 = arith.addf %add3A, %add3A_18 : vector<512x32xf32>
    %mul3A = arith.constant 2.000000e+00 : f32
    %mul3A_20 = arith.constant 3.906250e-03 : f32
    %mul3A_21 = arith.mulf %mul3A, %mul3A_20 : f32
    %mul3A_22 = vector.broadcast %mul3A_21 : f32 to vector<512x32xf32>
    %mul3A_23 = arith.mulf %mul3A_22, %dot_general3A_5 : vector<512x32xf32>
    %add3A_24 = vector.broadcast %broadcast_in_dim3A_14 : vector<1x32xf32> to vector<512x32xf32>
    %add3A_25 = arith.addf %add3A_24, %mul3A_23 : vector<512x32xf32>
    %get3A_26 = arith.constant 0 : index
    %get3A_27 = arith.constant 0 : index
    %get3A_28 = vector.load %arg5[%get3A_26, %get3A_27] : memref<512x1xf32, #tpu.memory_space<vmem>>, vector<512x1xf32>
    %add3A_29 = vector.broadcast %get3A_28 : vector<512x1xf32> to vector<512x32xf32>
    %add3A_30 = arith.addf %add3A_25, %add3A_29 : vector<512x32xf32>
    %mul3A_31 = arith.mulf %add3A_19, %add3A_19 : vector<512x32xf32>
    %sub3A = arith.subf %add3A_30, %mul3A_31 : vector<512x32xf32>
    %add3A_32 = arith.constant 9.99999974E-6 : f32
    %add3A_33 = vector.broadcast %add3A_32 : f32 to vector<512x32xf32>
    %add3A_34 = arith.addf %sub3A, %add3A_33 : vector<512x32xf32>
    %rsqrt3A = math.rsqrt %add3A_34 : vector<512x32xf32>
    %swap3A = arith.constant 0 : index
    %swap3A_35 = arith.constant 0 : index
    %swap3A_36 = vector.load %arg7[%swap3A, %swap3A_35] : memref<512x32xf32, #tpu.memory_space<vmem>>, vector<512x32xf32>
    tpu.vector_store %arg7[%swap3A, %swap3A_35], %rsqrt3A {strides = array<i32>} : memref<512x32xf32, #tpu.memory_space<vmem>>, vector<512x32xf32>,
    %get3A_37 = arith.constant 0 : index
    %get3A_38 = arith.constant 0 : index
    %get3A_39 = vector.load %arg6[%get3A_37, %get3A_38] : memref<1x256xf32, #tpu.memory_space<vmem>>, vector<1x256xf32>
    %sub3A_40 = vector.broadcast %get3A_17 : vector<512x1xf32> to vector<512x256xf32>
    %sub3A_41 = arith.subf %get3A_1, %sub3A_40 : vector<512x256xf32>
    %mul3A_42 = vector.broadcast %get3A_39 : vector<1x256xf32> to vector<512x256xf32>
    %mul3A_43 = arith.mulf %mul3A_42, %sub3A_41 : vector<512x256xf32>
    %slice3A = vector.extract_strided_slice %mul3A_43 {offsets = [0, 0], sizes = [512, 128], strides = [1, 1]} : vector<512x256xf32> to vector<512x128xf32>
    %convert_element_type3A = arith.truncf %slice3A : vector<512x128xf32> to vector<512x128xbf16>
    %slice3A_44 = vector.extract_strided_slice %mul3A_43 {offsets = [0, 128], sizes = [512, 128], strides = [1, 1]} : vector<512x256xf32> to vector<512x128xf32>
    %convert_element_type3A_45 = arith.truncf %slice3A_44 : vector<512x128xf32> to vector<512x128xbf16>
    %bitcast_convert_type3A = tpu.bitcast %convert_element_type3A : vector<512x128xbf16> -> vector<512x128xi16>
    %convert_element_type3A_46 = arith.extui %bitcast_convert_type3A : vector<512x128xi16> to vector<512x128xi32>
    %bitcast_convert_type3A_47 = tpu.bitcast %convert_element_type3A_45 : vector<512x128xbf16> -> vector<512x128xi16>
    %convert_element_type3A_48 = arith.extui %bitcast_convert_type3A_47 : vector<512x128xi16> to vector<512x128xi32>
    %shift_left3A = arith.constant 16 : i32
    %shift_left3A_49 = vector.broadcast %shift_left3A : i32 to vector<512x128xi32>
    %shift_left3A_50 = arith.shli %convert_element_type3A_48, %shift_left3A_49 : vector<512x128xi32>
    %or3A = arith.ori %convert_element_type3A_46, %shift_left3A_50 : vector<512x128xi32>
    %bitcast_convert_type3A_51 = tpu.bitcast %or3A : vector<512x128xi32> -> vector<512x128xf32>
    %swap3A_52 = arith.constant 0 : index
    %swap3A_53 = arith.constant 0 : index
    %swap3A_54 = vector.load %arg8[%swap3A_52, %swap3A_53] : memref<512x128xf32, #tpu.memory_space<vmem>>, vector<512x128xf32>
    tpu.vector_store %arg8[%swap3A_52, %swap3A_53], %bitcast_convert_type3A_51 {strides = array<i32>} : memref<512x128xf32, #tpu.memory_space<vmem>>, vector<512x128xf32>,
    return
  }
  func.func @transform_0(%arg0: i32) -> (i32, i32) {
    %c0_i32 = arith.constant 0 : i32
    %c0_i32_0 = arith.constant 0 : i32
    return %arg0, %c0_i32 : i32, i32
  }
  func.func @transform_1(%arg0: i32) -> (i32, i32) {
    %c0_i32 = arith.constant 0 : i32
    %c0_i32_0 = arith.constant 0 : i32
    %c0_i32_1 = arith.constant 0 : i32
    return %c0_i32, %c0_i32_0 : i32, i32
  }
  func.func @transform_2(%arg0: i32) -> (i32, i32) {
    %c0_i32 = arith.constant 0 : i32
    %c0_i32_0 = arith.constant 0 : i32
    %c0_i32_1 = arith.constant 0 : i32
    return %c0_i32, %c0_i32_0 : i32, i32
  }
  func.func @transform_3(%arg0: i32) -> (i32, i32) {
    %c0_i32 = arith.constant 0 : i32
    %c0_i32_0 = arith.constant 0 : i32
    return %arg0, %c0_i32 : i32, i32
  }
  func.func @transform_4(%arg0: i32) -> (i32, i32) {
    %c0_i32 = arith.constant 0 : i32
    %c0_i32_0 = arith.constant 0 : i32
    return %arg0, %c0_i32 : i32, i32
  }
  func.func @transform_5(%arg0: i32) -> (i32, i32) {
    %c0_i32 = arith.constant 0 : i32
    %c0_i32_0 = arith.constant 0 : i32
    %c0_i32_1 = arith.constant 0 : i32
    return %c0_i32, %c0_i32_0 : i32, i32
  }
  func.func @transform_6(%arg0: i32) -> (i32, i32) {
    %c0_i32 = arith.constant 0 : i32
    %c0_i32_0 = arith.constant 0 : i32
    return %arg0, %c0_i32 : i32, i32
  }
  func.func @transform_7(%arg0: i32) -> (i32, i32) {
    %c0_i32 = arith.constant 0 : i32
    %c0_i32_0 = arith.constant 0 : i32
    return %arg0, %c0_i32 : i32, i32
  }
}

module attributes {stable_mosaic.version = 14 : i64} {
  func.func @_tc_vocab_body(%arg0: memref<32x256xf32, #tpu.memory_space<vmem>>, %arg1: memref<1x256xf32, #tpu.memory_space<vmem>>, %arg2: memref<8x32xf32, #tpu.memory_space<vmem>>, %arg3: memref<32x128xf32, #tpu.memory_space<vmem>>) attributes {dimension_semantics = [], scalar_prefetch = 0 : i64, scratch_operands = 0 : i64, tpu.core_type = #tpu.core_type<tc>} {
    %get3A = arith.constant 0 : index
    %get3A_0 = arith.constant 0 : index
    %get3A_1 = vector.load %arg0[%get3A, %get3A_0] : memref<32x256xf32, #tpu.memory_space<vmem>>, vector<32x256xf32>
    %reduce_sum3A = arith.constant dense<0.000000e+00> : vector<32xf32>
    %reduce_sum3A_2 = vector.multi_reduction <add>, %get3A_1, %reduce_sum3A [1] : vector<32x256xf32> to vector<32xf32>
    %mul3A = arith.constant 3.906250e-03 : f32
    %mul3A_3 = vector.broadcast %mul3A : f32 to vector<32xf32>
    %mul3A_4 = arith.mulf %reduce_sum3A_2, %mul3A_3 : vector<32xf32>
    %mul3A_5 = arith.mulf %get3A_1, %get3A_1 : vector<32x256xf32>
    %reduce_sum3A_6 = arith.constant dense<0.000000e+00> : vector<32xf32>
    %reduce_sum3A_7 = vector.multi_reduction <add>, %mul3A_5, %reduce_sum3A_6 [1] : vector<32x256xf32> to vector<32xf32>
    %mul3A_8 = arith.constant 3.906250e-03 : f32
    %mul3A_9 = vector.broadcast %mul3A_8 : f32 to vector<32xf32>
    %mul3A_10 = arith.mulf %reduce_sum3A_7, %mul3A_9 : vector<32xf32>
    %stack3A = vector.shape_cast %mul3A_4 : vector<32xf32> to vector<1x32xf32>
    %stack3A_11 = vector.shape_cast %mul3A_10 : vector<32xf32> to vector<1x32xf32>
    %stack3A_12 = vector.shape_cast %mul3A_4 : vector<32xf32> to vector<1x32xf32>
    %stack3A_13 = vector.shape_cast %mul3A_10 : vector<32xf32> to vector<1x32xf32>
    %stack3A_14 = vector.shape_cast %mul3A_4 : vector<32xf32> to vector<1x32xf32>
    %stack3A_15 = vector.shape_cast %mul3A_10 : vector<32xf32> to vector<1x32xf32>
    %stack3A_16 = vector.shape_cast %mul3A_4 : vector<32xf32> to vector<1x32xf32>
    %stack3A_17 = vector.shape_cast %mul3A_10 : vector<32xf32> to vector<1x32xf32>
    %stack3A_18 = tpu.concatenate %stack3A, %stack3A_11, %stack3A_12, %stack3A_13, %stack3A_14, %stack3A_15, %stack3A_16, %stack3A_17 in 0 : vector<1x32xf32>, vector<1x32xf32>, vector<1x32xf32>, vector<1x32xf32>, vector<1x32xf32>, vector<1x32xf32>, vector<1x32xf32>, vector<1x32xf32> -> vector<8x32xf32>
    %swap3A = arith.constant 0 : index
    %swap3A_19 = arith.constant 0 : index
    %swap3A_20 = vector.load %arg2[%swap3A, %swap3A_19] : memref<8x32xf32, #tpu.memory_space<vmem>>, vector<8x32xf32>
    tpu.vector_store %arg2[%swap3A, %swap3A_19], %stack3A_18 {strides = array<i32>} : memref<8x32xf32, #tpu.memory_space<vmem>>, vector<8x32xf32>,
    %get3A_21 = arith.constant 0 : index
    %get3A_22 = arith.constant 0 : index
    %get3A_23 = vector.load %arg1[%get3A_21, %get3A_22] : memref<1x256xf32, #tpu.memory_space<vmem>>, vector<1x256xf32>
    %broadcast_in_dim3A = vector.shape_cast %mul3A_4 : vector<32xf32> to vector<32x1xf32>
    %sub3A = vector.broadcast %broadcast_in_dim3A : vector<32x1xf32> to vector<32x256xf32>
    %sub3A_24 = arith.subf %get3A_1, %sub3A : vector<32x256xf32>
    %mul3A_25 = vector.broadcast %get3A_23 : vector<1x256xf32> to vector<32x256xf32>
    %mul3A_26 = arith.mulf %mul3A_25, %sub3A_24 : vector<32x256xf32>
    %slice3A = vector.extract_strided_slice %mul3A_26 {offsets = [0, 0], sizes = [32, 128], strides = [1, 1]} : vector<32x256xf32> to vector<32x128xf32>
    %convert_element_type3A = arith.truncf %slice3A : vector<32x128xf32> to vector<32x128xbf16>
    %slice3A_27 = vector.extract_strided_slice %mul3A_26 {offsets = [0, 128], sizes = [32, 128], strides = [1, 1]} : vector<32x256xf32> to vector<32x128xf32>
    %convert_element_type3A_28 = arith.truncf %slice3A_27 : vector<32x128xf32> to vector<32x128xbf16>
    %bitcast_convert_type3A = tpu.bitcast %convert_element_type3A : vector<32x128xbf16> -> vector<32x128xi16>
    %convert_element_type3A_29 = arith.extui %bitcast_convert_type3A : vector<32x128xi16> to vector<32x128xi32>
    %bitcast_convert_type3A_30 = tpu.bitcast %convert_element_type3A_28 : vector<32x128xbf16> -> vector<32x128xi16>
    %convert_element_type3A_31 = arith.extui %bitcast_convert_type3A_30 : vector<32x128xi16> to vector<32x128xi32>
    %shift_left3A = arith.constant 16 : i32
    %shift_left3A_32 = vector.broadcast %shift_left3A : i32 to vector<32x128xi32>
    %shift_left3A_33 = arith.shli %convert_element_type3A_31, %shift_left3A_32 : vector<32x128xi32>
    %or3A = arith.ori %convert_element_type3A_29, %shift_left3A_33 : vector<32x128xi32>
    %bitcast_convert_type3A_34 = tpu.bitcast %or3A : vector<32x128xi32> -> vector<32x128xf32>
    %swap3A_35 = arith.constant 0 : index
    %swap3A_36 = arith.constant 0 : index
    %swap3A_37 = vector.load %arg3[%swap3A_35, %swap3A_36] : memref<32x128xf32, #tpu.memory_space<vmem>>, vector<32x128xf32>
    tpu.vector_store %arg3[%swap3A_35, %swap3A_36], %bitcast_convert_type3A_34 {strides = array<i32>} : memref<32x128xf32, #tpu.memory_space<vmem>>, vector<32x128xf32>,
    return
  }
}

</mosaic_0001>

<sc_bundles>
// kernel: kernel.5.cloned.1.call-start
scs
__scs_entry_jumppad:
0x0: {  	(pc) =	sbr.rel $0x88, $3  }
0x1: {  	(tag) =	ssettag $0x0;
	lr =	simm.s32 $0x1  }
0x2: {  	[smem:$0x3F9D] =	sst lr;
	_ =	strace $0xD0000000  }
0x3: {  	_ = 	snop  }
0x4: {  	_ = 	snop  }
0x5: {  	_ = 	snop  }
0x6: {  	_ = 	snop  }
0x7: {  	_ = 	snop  }
__scs_overlays_trampoline_lowered:
0x8: {  	[smem:$0x3FAC] =	sst s0  }
0x9: {  	[smem:$0x3FAD] =	sst s1  }
0xa: {  	[smem:$0x3FAE] =	sst s2  }
0xb: {  	[smem:$0x3FAF] =	sst s3  }
0xc: {  	[smem:$0x3FB0] =	sst s4  }
0xd: {  	[smem:$0x3FB1] =	sst s5  }
0xe: {  	[smem:$0x3FB2] =	sst s6  }
0xf: {  	[smem:$0x3FB3] =	sst s7  }
0x10: {  	[smem:$0x3FB4] =	sst s8  }
0x11: {  	[smem:$0x3FB5] =	sst s9;
	s0 =	simm.s32 @!p0 $0x0  }
0x12: {  	s1 =	sld [smem:$0x3F9B];
	s0 =	simm.s32 @p0 $0x1  }
0x13: {  	[smem:$0x3FB6] =	sst s0;
	s0 =	simm.s32 @!p1 $0x0  }
0x14: {  	s2 =	sld [smem:$0x3F9A];
	s0 =	simm.s32 @p1 $0x1  }
0x15: {  	[smem:$0x3FB7] =	sst s0;
	s0 =	simm.s32 @!p2 $0x0  }
0x16: {  	s3 =	sld [smem:$0x3FDB];
	s0 =	simm.s32 @p2 $0x1  }
0x17: {  	s4 =	simm.s32 $0x1BF5;
	[smem:$0x3FB9] =	sst s0  }
0x18: {  	s0 =	sld [smem:$0x3F9C];
	_ =	swait.ge [sflag:s4], $0x0  }
0x19: {  	s7 =	sld [smem:$0x3F9D]  }
0x1a: {  	s8 =	sadd.s32 $0xFFFFE003, lr  }
0x1b: {  	s9 =	sadd.s32 $0xFFFFFEF7, lr;
	s5 =	simm.s32 $0xFFFFFFFF;
	p2 =	slt.u32 s8, $0xFFFFF086  }
0x1c: {  	p1 =	slt.u32 s9, $0xF7A;
	s5 =	simm.s32 @!p2 $0x0  }
0x1d: {  	s5 =	simm.s32 @p1 $0x1;
	p0 =	seq.s32 s7, s2  }
0x1e: {  	s7 =	smul.u32 @!p0 $0xF7A, s2;
	p2 =	seq.s32 @!p0 s5, $0x0  }
0x1f: {  	s9 =	smul.u32 $0xF7A, s1;
	s8 =	simm.s32 @!p0 $0x1BF5;
	p2 =	por !p2, p0  }
0x20: {  	[sflag:s8] =	ssyncset.s32 @!p0 $0xFFFFF086;
	s6 =	sadd.s32 @!p0 s3, s7;
	s7 =	simm.s32 @!p0 $0x108  }
0x21: {  	s3 =	sadd.s32 s3, s9;
	s6 =	sadd.s32 @!p0 $0x88, s6;
	s7 =	simm.s32 @p2 $0x1082  }
0x22: {  	[simem:s7], [sflag:s8] =	dma.local @!p0 [hbm:s6], $0xF7A  }
0x23: {  	s9 =	sor.u32 $0xD0000000, s2;
	s6 =	simm.s32 $0x108;
	_ =	swait.ge @!p0 [sflag:s8], $0x0  }
0x24: {  	s3 =	sadd.s32 $0x88, s3;
	s6 =	simm.s32 @!p1 $0x1082;
	[sflag:s4] =	ssyncset.s32 $0xFFFFF086  }
0x25: {  	[simem:s6], [sflag:s4] =	dma.local [hbm:s3], $0xF7A  }
0x26: {  	[smem:$0x3F9D] =	sst s1;
	(tag) =	ssettag s2;
	_ =	strace s9  }
0x27: {  	s1 =	sld [smem:$0x3FAD]  }
0x28: {  	s2 =	sld [smem:$0x3FAE]  }
0x29: {  	s4 =	sld [smem:$0x3FB0]  }
0x2a: {  	p0 =	seq.s32 s5, $0x0;
	s5 =	sld [smem:$0x3FB1]  }
0x2b: {  	s6 =	sld [smem:$0x3FB2]  }
0x2c: {  	s7 =	sld [smem:$0x3FB3]  }
0x2d: {  	s3 =	simm.s32 $0x108;
	s8 =	sld [smem:$0x3FB4]  }
0x2e: {  	s3 =	simm.s32 @!p0 $0x1082;
	s9 =	sld [smem:$0x3FB5]  }
0x2f: {  	lr =	sadd.s32 s0, s3;
	s0 =	sld [smem:$0x3FAC]  }
0x30: {  	s3 =	sld [smem:$0x3FAF]  }
0x31: {  	[smem:$0x3FB8] =	sst s10  }
0x32: {  	s10 =	sld [smem:$0x3FB6];
	_ =	sdelay $0x3  }
0x33: {  	p0 =	seq.s32 s10, $0x1;
	s10 =	sld [smem:$0x3FB8];
	_ =	sdelay $0x3  }
0x34: {  	[smem:$0x3FB8] =	sst s10  }
0x35: {  	s10 =	sld [smem:$0x3FB7];
	_ =	sdelay $0x3  }
0x36: {  	p1 =	seq.s32 s10, $0x1;
	s10 =	sld [smem:$0x3FB8];
	_ =	sdelay $0x3  }
0x37: {  	[smem:$0x3FB8] =	sst s10  }
0x38: {  	s10 =	sld [smem:$0x3FB9]  }
0x39: {  	_ = 	snop;
	(pc) =	sbr.ind lr, $3  }
0x3a: {  	_ = 	snop  }
0x3b: {  	_ = 	snop  }
0x3c: {  	p2 =	seq.s32 s10, $0x1;
	s10 =	sld [smem:$0x3FB8]  }
0x3d: {  	_ =	shalt  }
0x3e: {  	_ =	shalt  }
0x3f: {  	_ =	shalt  }
0x40: {  	_ =	shalt  }
0x41: {  	_ =	shalt  }
0x42: {  	_ =	shalt  }
0x43: {  	_ =	shalt  }
0x44: {  	_ =	shalt  }
0x45: {  	_ =	shalt  }
0x46: {  	_ =	shalt  }
0x47: {  	_ =	shalt  }
0x48: {  	_ =	shalt  }
0x49: {  	_ =	shalt  }
0x4a: {  	_ =	shalt  }
0x4b: {  	_ =	shalt  }
0x4c: {  	_ =	shalt  }
0x4d: {  	_ =	shalt  }
0x4e: {  	_ =	shalt  }
0x4f: {  	_ =	shalt  }
0x50: {  	_ =	shalt  }
0x51: {  	_ =	shalt  }
0x52: {  	_ =	shalt  }
0x53: {  	_ =	shalt  }
0x54: {  	_ =	shalt  }
0x55: {  	_ =	shalt  }
0x56: {  	_ =	shalt  }
0x57: {  	_ =	shalt  }
0x58: {  	_ =	shalt  }
0x59: {  	_ =	shalt  }
0x5a: {  	_ =	shalt  }
0x5b: {  	_ =	shalt  }
0x5c: {  	_ =	shalt  }
0x5d: {  	_ =	shalt  }
0x5e: {  	_ =	shalt  }
0x5f: {  	_ =	shalt  }
0x60: {  	_ =	shalt  }
0x61: {  	_ =	shalt  }
0x62: {  	_ =	shalt  }
0x63: {  	_ =	shalt  }
0x64: {  	_ =	shalt  }
0x65: {  	_ =	shalt  }
0x66: {  	_ =	shalt  }
0x67: {  	_ =	shalt  }
0x68: {  	_ =	shalt  }
0x69: {  	_ =	shalt  }
0x6a: {  	_ =	shalt  }
0x6b: {  	_ =	shalt  }
0x6c: {  	_ =	shalt  }
0x6d: {  	_ =	shalt  }
0x6e: {  	_ =	shalt  }
0x6f: {  	_ =	shalt  }
0x70: {  	_ =	shalt  }
0x71: {  	_ =	shalt  }
0x72: {  	_ =	shalt  }
0x73: {  	_ =	shalt  }
0x74: {  	_ =	shalt  }
0x75: {  	_ =	shalt  }
0x76: {  	_ =	shalt  }
0x77: {  	_ =	shalt  }
0x78: {  	_ =	shalt  }
0x79: {  	_ =	shalt  }
0x7a: {  	_ =	shalt  }
0x7b: {  	_ =	shalt  }
0x7c: {  	_ =	shalt  }
0x7d: {  	_ =	shalt  }
0x7e: {  	_ =	shalt  }
0x7f: {  	_ =	shalt  }
0x80: {  	_ =	shalt  }
0x81: {  	_ =	shalt  }
0x82: {  	_ =	shalt  }
0x83: {  	_ =	shalt  }
0x84: {  	_ =	shalt  }
0x85: {  	_ =	shalt  }
0x86: {  	_ =	shalt  }
0x87: {  	_ =	shalt  }
.Lfunc_end0:
.L_simem_size_0:
called_computation_lowered:
.L_overlay_start_0:
0x88: {  	s2 =	sld [smem:$0x3FD9]  }
0x89: {  	s3 =	sld [smem:$0x3FFE];
	_ =	sdelay $0x1  }
0x8a: {  	s1 =	srdreg.scid  }
0x8b: {  	s0 =	sand.u32 $0x1, s1  }
0x8c: {  	s17 =	sshll.u32 s0, $0xA;
	s2 =	sadd.s32 s3, s2  }
0x8d: {  	s2 =	sadd.s32 s2, s17  }
0x8e: {  	[smem:$0x3FC4] =	sst s2  }
0x8f: {  	_ = 	snop  }
0x90: {  	s2 =	sld [smem:$0x3FC9]  }
0x91: {  	s18 =	sld [smem:$0x3FC6]  }
0x92: {  	s4 =	sld [smem:$0x3FD0];
	(tm) =	ssettm $0x1  }
0x93: {  	s5 =	sld [smem:$0x3FFB];
	_ =	sdelay $0x3  }
0x94: {  	_ =	strace s5  }
0x95: {  	s5 =	sld [smem:$0x3FFC];
	_ =	sdelay $0x3  }
0x96: {  	_ =	strace s5  }
0x97: {  	s5 =	sld [smem:$0x3FFD];
	_ =	sdelay $0x3  }
0x98: {  	_ =	strace s5  }
0x99: {  	_ =	strace $0x8FFFFFFF  }
0x9a: {  	s19 =	sld [smem:$0x3FDB];
	_ =	sdelay $0x1  }
0x9b: {  	s6 =	simm.s32 $_scs_section_size  }
0x9c: {  	s7 =	simm.s32 $_size__tile_overlayer_lowered;
	s8 =	simm.s32 $_tile_overlayer_lowered  }
0x9d: {  	s22 =	simm.s32 $0x1BFF;
	s21 =	sshll.u32 s8, $0x1;
	s5 =	sadd.s32 s6, s19  }
0x9e: {  	s9 =	simm.s32 $0x0;
	s20 =	sshll.u32 s7, $0x1;
	s7 =	sadd.s32 s21, s5  }
0x9f: {  	[timem:s9], [sflag:s22] =	dma.local [hbm:s7], s20  }
0xa0: {  	_ =	swait.ge [sflag:s22], s20  }
0xa1: {  	s6 =	ssub.s32 $0x0, s20;
	[sflag:s22] =	ssyncset.done $0x0  }
0xa2: {  	[sflag:s22] =	ssyncadd.s32 s6;
	_ =	sdelay $0x1  }
0xa3: {  	s23 =	simm.s32 $0x1B8B  }
0xa4: {  	_ =	swait.ge [sflag:s23], $0x1  }
0xa5: {  	[sflag:s23] =	ssyncset.done $0x0  }
0xa6: {  	s25 =	simm.s32 $0x1B8E;
	s24 =	sld [smem:$0x3FFE];
	[sflag:s23] =	ssyncadd.s32 $0xFFFFFFFF  }
0xa7: {  	s26 =	simm.s32 $execute0_lowered;
	[smem:$0x3FD2] =	sst s25  }
0xa8: {  	s7 =	sshll.u32 s26, $0x1;
	_ =	strace $0x80000046;
	[dreg:$0x1] =	wrdreg $0xFFFFFFFF  }
0xa9: {  	s28 =	simm.s32 $_size_execute0_lowered;
	s5 =	sadd.s32 s5, s7;
	[dreg:$0x0] =	wrdreg $0x0  }
0xaa: {  	s7 =	sshll.u32 s28, $0x1;
	[dreg:$0x2] =	wrdreg s5  }
0xab: {  	[dreg:$0x3] =	wrdreg s7  }
0xac: {  	[dreg:$0x4] =	wrdreg $0xC0  }
0xad: {  	_ =	task [dreg:s9], $0x5FFFF  }
0xae: {  	[dreg:$0x1] =	wrdreg $0xFFFFFFFF  }
0xaf: {  	[dreg:$0x0] =	wrdreg $0x60  }
0xb0: {  	[dreg:$0x2] =	wrdreg s2  }
0xb1: {  	[dreg:$0x3] =	wrdreg s24  }
0xb2: {  	[dreg:$0x4] =	wrdreg s18  }
0xb3: {  	[dreg:$0x5] =	wrdreg s4  }
0xb4: {  	[dreg:$0x6] =	wrdreg $0x9  }
0xb5: {  	_ =	task.clear_ibuf [dreg:s9], $0x7FFFF;
	_ =	strace $0x90000046  }
0xb6: {  	s29 =	simm.s32 $0x9;
	_ =	strace $0x80000048  }
0xb7: {  	_ =	swait.ge [sflag:s29], $0x1  }
0xb8: {  	[sflag:s29] =	ssyncadd.s32 $0xFFFFFFFF  }
0xb9: {  	_ =	strace $0x90000048  }
0xba: {  	_ =	sfence  }
0xbb: {  	s30 =	sld [smem:$0x0];
	_ =	sdelay $0x2  }
0xbc: {  	s31 =	sshll.u32 s1, $0xD;
	s1 =	sshrl.u32 s1, $0x2  }
0xbd: {  	s3 =	sand.u32 $0x4000, s31;
	s1 =	sadd.s32 s1, s30  }
0xbe: {  	s0 =	sor.u32 s3, s0;
	s1 =	sshll.u32 s1, $0x11  }
0xbf: {  	s0 =	sor.u32 s1, s0  }
0xc0: {  	s0 =	sadd.s32 $0x8F2B, s0  }
0xc1: {  	[sflag:s0] =	ssyncadd.remote.s32 $0x1  }
0xc2: {  	_ =	sfence.sel $0xFFFF  }
0xc3: {  	[dreg:$0x0] =	wrdreg $0xFFFFFFFF;
	(pc) =	sbr.abs _section_cstart, $3  }
0xc4: {  	[dreg:$0x1] =	wrdreg $0xFFFFFFFF  }
0xc5: {  	_ =	task.clear_ibuf [dreg:s9], $0x2FFFF;
	_ =	strace $0x9FFFFFFF  }
0xc6: {  	(tm) =	ssettm $0x7FFFFFFF  }
0xc7: {  	_ =	shalt  }
tec
execute0_lowered:
.L_overlay_start_1:
0x0: {  	(tag) =	ssettag $0x1  }
0x1: {  	s0 =	rddreg [dreg:$0x0]  }
0x2: {  	s1 =	rddreg [dreg:$0x1]  }
0x3: {  	s3 =	rddreg [dreg:$0x3];
	s2 =	srdreg.scid  }
0x4: {  	s5 =	stileid.u32;
	s4 =	simm.s32 $0x0;
	s14 =	simm.s32 $0x5000  }
0x5: {  	s16 =	simm.s32 $0x5900;
	s17 =	simm.s32 $0x3;
	s18 =	simm.s32 $0x1  }
0x6: {  	s19 =	simm.s32 $0x2;
	s20 =	simm.s32 $0x0;
	s2 =	sand.u32 $0x1, s2  }
0x7: {  	s5 =	sshll.u32 s5, $0x8;
	[smem:$0x7FF] =	sst s4;
	s6 =	sshll.u32 s2, $0x7  }
0x8: {  	s7 =	sadd.s32 $0x1800, s1;
	_ =	strace $0x80000047;
	s5 =	sor.u32 s6, s5  }
0x9: {  	v0 =	vlaneseq.u32;
	s2 =	ssub.s32 $0x2, s2;
	[dreg:$0x5] =	wrdreg s7;
	s6 =	sshll.u32 s5, $0x4  }
0xa: {  	v1 =	vor.u32 $0x10, v0;
	s30 =	sshrl.u32 s2, $0x1;
	s0 =	sadd.s32 s0, s5;
	s1 =	sadd.s32 s6, s1  }
0xb: {  	v2 =	vor.u32 $0x20, v0;
	v3 =	vor.u32 $0x30, v0;
	v4 =	vor.u32 $0x40, v0;
	s2 =	ssub.s32 s2, s30;
	[dreg:$0x7] =	wrdreg s0;
	s31 =	sadd.s32 $0x11A00, s1  }
0xc: {  	v5 =	vor.u32 $0x50, v0;
	v6 =	vor.u32 $0x60, v0;
	v7 =	vor.u32 $0x70, v0;
	s10 =	smax.u32 s2, $0x1;
	s9 =	sadd.s32 $0x1A00, s1;
	[dreg:$0x6] =	wrdreg s31  }
.LBB2_1:
0xd: {  	s0 =	rddreg [dreg:$0x5]  }
0xe: {  	[tilespmem:s4], [sflag:$0x3] =	stream.linear.gather [hbm4b:s0+s4], $0x1000, $0x38;
	[tilespmem:$0x11900] =	vst v63  }
0xf: {  	s26 =	rddreg [dreg:$0x6];
	s1 =	simm.s32 $0x1000  }
0x10: {  	[tilespmem:s1], [sflag:$0x3] =	stream.linear.gather [hbm4b:s26+s4], $0x4000, $0x38;
	[tilespmem:$0x11900] =	vst v63  }
0x11: {  	s28 =	rddreg [dreg:$0x7];
	s29 =	simm.s32 $0x400;
	s2 =	simm.s32 $0x8000  }
0x12: {  	[tilespmem:s14], [sflag:$0x3] =	stream.strided.gather [hbm4b:s28+s29], $0x800, s2, s29, $0x38;
	[tilespmem:$0x11900] =	vst v63  }
0x13: {  	s30 =	rddreg [dreg:$0x2];
	s31 =	simm.s32 $0x5800  }
0x14: {  	[tilespmem:s31], [sflag:$0x3] =	stream.linear.gather [hbm4b:s30+s4], $0x100, $0x38;
	[tilespmem:$0x11900] =	vst v63  }
0x15: {  	_ = 	snop  }
0x16: {  	[tilespmem:s16], [sflag:$0x3] =	stream.linear.gather [hbm4b:s9+s4], $0x4000, $0x38;
	[tilespmem:$0x11900] =	vst v63  }
0x17: {  	_ =	swait.ge [sflag:s17], $0x1000  }
0x18: {  	[sflag:s17] =	ssyncset.done $0x0  }
0x19: {  	[sflag:s17] =	ssyncadd.s32 $0xFFFFF000  }
0x1a: {  	_ =	swait.ge [sflag:s17], $0x4000  }
0x1b: {  	[sflag:s17] =	ssyncset.done $0x0  }
0x1c: {  	[sflag:s17] =	ssyncadd.s32 $0xFFFFC000  }
0x1d: {  	_ =	swait.ge [sflag:s17], $0x800  }
0x1e: {  	[sflag:s17] =	ssyncset.done $0x0  }
0x1f: {  	[sflag:s17] =	ssyncadd.s32 $0xFFFFF800  }
0x20: {  	_ =	swait.ge [sflag:s17], $0x100  }
0x21: {  	[sflag:s17] =	ssyncset.done $0x0  }
0x22: {  	[sflag:s17] =	ssyncadd.s32 $0xFFFFFF00  }
0x23: {  	_ =	swait.ge [sflag:s17], $0x4000  }
0x24: {  	[sflag:s17] =	ssyncset.done $0x0  }
0x25: {  	[sflag:s17] =	ssyncadd.s32 $0xFFFFC000  }
0x26: {  	v8 =	vld [tilespmem:$0x5800]  }
0x27: {  	v9 =	vld [tilespmem:$0x5810]  }
0x28: {  	v10 =	vld [tilespmem:$0x5820]  }
0x29: {  	v11 =	vld [tilespmem:$0x5830]  }
0x2a: {  	v12 =	vld [tilespmem:$0x5840]  }
0x2b: {  	v13 =	vld [tilespmem:$0x5850]  }
0x2c: {  	v14 =	vld [tilespmem:$0x5860]  }
0x2d: {  	v15 =	vld [tilespmem:$0x5870]  }
0x2e: {  	v16 =	vld [tilespmem:$0x5880]  }
0x2f: {  	v17 =	vld [tilespmem:$0x5890]  }
0x30: {  	v18 =	vld [tilespmem:$0x58A0]  }
0x31: {  	v19 =	vld [tilespmem:$0x58B0]  }
0x32: {  	v21 =	vld [tilespmem:$0x58D0]  }
0x33: {  	v20 =	vld [tilespmem:$0x58C0]  }
0x34: {  	v23 =	vld [tilespmem:$0x58F0]  }
0x35: {  	p0 =	por $0x0, $0x0;
	s21 =	simm.s32 $0x0;
	v22 =	vld [tilespmem:$0x58E0]  }
.LBB2_2:
0x36: {  	s0 =	simm.s32 $0x1  }
0x37: {  	s0 =	simm.s32 @!p0 $0x0  }
0x38: {  	s23 =	sshrl.u32 s21, $0x1;
	s26 =	sshll.u32 s0, $0x6  }
0x39: {  	s1 =	sshll.u32 s23, $0x7;
	s6 =	sadd.s32 $0xFFFFFFFE, s26  }
0x3a: {  	v25 =	vmov s1;
	s11 =	sadd.s32 $0x3, s6  }
0x3b: {  	s22 =	sand.u32 $0x1, s21;
	p1 =	slt.u32 s21, $0x2;
	v24 =	vor.u32 s11, v25  }
0x3c: {  	s2 =	sadd.s32 @!p1 $0x1, s22  }
0x3d: {  	_ =	swait.ge @!p1 [sflag:s2], $0x4000  }
0x3e: {  	[sflag:s2] =	ssyncset.done @!p1 $0x0  }
0x3f: {  	[sflag:s2] =	ssyncadd.s32 @!p1 $0xFFFFC000  }
0x40: {  	v24 =	vld.idx.msk [tilespmem:v24+s14+$0x0], $0xffff;
	_ =	sdelay $0x4  }
0x41: {  	v28 =	vshll.u32 v24, $0x7  }
0x42: {  	v27 =	vmov s11;
	v26 =	vor.u32 v0, v28  }
0x43: {  	v27 =	vshll.u32 v27, $0x7;
	v29 =	vand.u32 $0xFFFFFF80, v24  }
0x44: {  	s0 =	sshll.u32 s0, $0xD;
	v24 =	vand.u32 $0x7F, v24;
	v27 =	vadd.s32 v27, v29  }
0x45: {  	s2 =	sor.u32 $0x1080, s0;
	v24 =	vor.u32 v24, v27  }
0x46: {  	v27 =	vld [tilespmem:s2+$0x0]  }
0x47: {  	v26 =	vld.idx.msk [tilespmem:v26+s4+$0x0], $0xffff;
	_ =	sdelay $0x2  }
0x48: {  	v33 =	vld.idx.msk [tilespmem:v24+s16+$0x0], $0xffff  }
0x49: {  	s12 =	sadd.s32 $0x2, s6  }
0x4a: {  	v24 =	vor.u32 s12, v25;
	v30 =	vshll.u32 v27, $0x10;
	v29 =	vshll.u32 v26, $0x10  }
0x4b: {  	v27 =	vand.u32 $0xFFFF0000, v27;
	v26 =	vand.u32 $0xFFFF0000, v26;
	v29 =	vadd.f32 v30, v29  }
0x4c: {  	v26 =	vadd.f32 v27, v26  }
0x4d: {  	s15 =	simm.s32 $0x0;
	s13 =	sshll.u32 s22, $0xE;
	v27 =	vmul.f32 v29, v33  }
0x4e: {  	s25 =	sand.u32 $0x3800, s15;
	s24 =	sor.u32 $0x9900, s13;
	s11 =	simm.s32 $0x80;
	v30 =	vor.u32 v1, v28;
	v26 =	vmul.f32 v26, v33  }
0x4f: {  	s1 =	sadd.s32 s25, s24;
	s11 =	sand.u32 $0x380, s11;
	v24 =	vld.idx.msk [tilespmem:v24+s14+$0x0], $0xffff;
	v27 =	vadd.f32 v27, v8  }
0x50: {  	s11 =	sadd.s32 s11, s1;
	v26 =	vadd.f32 v26, v16  }
0x51: {  	[tilespmem:s11+$0x0] =	vst v27  }
0x52: {  	[tilespmem:s11+$0x400] =	vst v26  }
0x53: {  	v26 =	vld.idx.msk [tilespmem:v30+s4+$0x0], $0xffff  }
0x54: {  	v29 =	vshll.u32 v24, $0x7;
	v30 =	vld [tilespmem:s2+$0x10]  }
0x55: {  	v31 =	vmov s12;
	v27 =	vor.u32 v0, v29  }
0x56: {  	v31 =	vshll.u32 v31, $0x7;
	v32 =	vand.u32 $0xFFFFFF80, v24  }
0x57: {  	v24 =	vand.u32 $0x7F, v24;
	v31 =	vadd.s32 v31, v32  }
0x58: {  	v24 =	vor.u32 v24, v31  }
0x59: {  	v34 =	vld [tilespmem:s2+$0xFFFFFF80];
	v31 =	vshll.u32 v26, $0x10;
	v39 =	vshll.u32 v30, $0x10  }
0x5a: {  	v27 =	vld.idx.msk [tilespmem:v27+s4+$0x0], $0xffff;
	v26 =	vand.u32 $0xFFFF0000, v26;
	v30 =	vand.u32 $0xFFFF0000, v30;
	v31 =	vadd.f32 v39, v31  }
0x5b: {  	v26 =	vadd.f32 v30, v26  }
0x5c: {  	v30 =	vmul.f32 v31, v33  }
0x5d: {  	v24 =	vld.idx.msk [tilespmem:v24+s16+$0x0], $0xffff;
	v26 =	vmul.f32 v26, v33;
	v31 =	vor.u32 v2, v28  }
0x5e: {  	v30 =	vadd.f32 v30, v9  }
0x5f: {  	v35 =	vshll.u32 v34, $0x10;
	v40 =	vshll.u32 v27, $0x10;
	v26 =	vadd.f32 v26, v17  }
0x60: {  	v34 =	vand.u32 $0xFFFF0000, v34;
	v27 =	vand.u32 $0xFFFF0000, v27;
	v32 =	vadd.f32 v35, v40;
	[tilespmem:s11+$0x10] =	vst v30  }
0x61: {  	v27 =	vadd.f32 v34, v27;
	[tilespmem:s11+$0x410] =	vst v26  }
0x62: {  	v26 =	vmul.f32 v32, v24;
	v30 =	vld.idx.msk [tilespmem:v31+s4+$0x0], $0xffff  }
0x63: {  	v27 =	vmul.f32 v27, v24;
	v31 =	vor.u32 v1, v29;
	v41 =	vld [tilespmem:s2+$0x20]  }
0x64: {  	s6 =	sand.u32 $0x300, s15;
	v26 =	vadd.f32 v26, v8  }
0x65: {  	s25 =	sadd.s32 s6, s1;
	v27 =	vadd.f32 v27, v16  }
0x66: {  	[tilespmem:s25+$0x0] =	vst v26  }
0x67: {  	[tilespmem:s25+$0x400] =	vst v27  }
0x68: {  	v26 =	vld.idx.msk [tilespmem:v31+s4+$0x0], $0xffff;
	v27 =	vshll.u32 v30, $0x10;
	v31 =	vshll.u32 v41, $0x10  }
0x69: {  	v42 =	vld [tilespmem:s2+$0xFFFFFF90];
	v30 =	vand.u32 $0xFFFF0000, v30;
	v32 =	vand.u32 $0xFFFF0000, v41;
	v27 =	vadd.f32 v31, v27  }
0x6a: {  	v30 =	vadd.f32 v32, v30  }
0x6b: {  	v27 =	vmul.f32 v27, v33  }
0x6c: {  	v31 =	vor.u32 v3, v28;
	v30 =	vmul.f32 v30, v33  }
0x6d: {  	v27 =	vadd.f32 v27, v10  }
0x6e: {  	v44 =	vshll.u32 v42, $0x10;
	v43 =	vshll.u32 v26, $0x10;
	v30 =	vadd.f32 v30, v18  }
0x6f: {  	v34 =	vand.u32 $0xFFFF0000, v42;
	v26 =	vand.u32 $0xFFFF0000, v26;
	v32 =	vadd.f32 v44, v43;
	[tilespmem:s11+$0x20] =	vst v27  }
0x70: {  	v26 =	vadd.f32 v34, v26;
	[tilespmem:s11+$0x420] =	vst v30  }
0x71: {  	v27 =	vmul.f32 v32, v24;
	v30 =	vld.idx.msk [tilespmem:v31+s4+$0x0], $0xffff  }
0x72: {  	s7 =	sadd.s32 $0x0, s26;
	v31 =	vor.u32 v2, v29;
	v26 =	vmul.f32 v26, v24;
	v45 =	vld [tilespmem:s2+$0x30]  }
0x73: {  	s8 =	sadd.s32 $0x3, s7;
	v27 =	vadd.f32 v27, v9  }
0x74: {  	v46 =	vor.u32 s8, v25;
	v26 =	vadd.f32 v26, v17  }
0x75: {  	[tilespmem:s25+$0x10] =	vst v27  }
0x76: {  	[tilespmem:s25+$0x410] =	vst v26  }
0x77: {  	v26 =	vld.idx.msk [tilespmem:v31+s4+$0x0], $0xffff;
	v27 =	vshll.u32 v30, $0x10;
	v31 =	vshll.u32 v45, $0x10  }
0x78: {  	s0 =	sadd.s32 $0x2, s7;
	v30 =	vand.u32 $0xFFFF0000, v30;
	v32 =	vand.u32 $0xFFFF0000, v45;
	v27 =	vadd.f32 v31, v27  }
0x79: {  	v48 =	vor.u32 s0, v25;
	v30 =	vadd.f32 v32, v30;
	v31 =	vld.idx.msk [tilespmem:v46+s14+$0x0], $0xffff  }
0x7a: {  	v47 =	vld [tilespmem:s2+$0xFFFFFFA0];
	v27 =	vmul.f32 v27, v33  }
0x7b: {  	v49 =	vor.u32 v4, v28;
	v30 =	vmul.f32 v30, v33  }
0x7c: {  	v27 =	vadd.f32 v27, v11  }
0x7d: {  	v51 =	vmov s8;
	v61 =	vor.u32 v5, v28;
	v30 =	vadd.f32 v30, v19  }
0x7e: {  	s28 =	sadd.s32 $0x100, s2;
	v34 =	vshll.u32 v51, $0x7;
	v32 =	vld.idx.msk [tilespmem:v48+s14+$0x0], $0xffff;
	v36 =	vshll.u32 v26, $0x10;
	v37 =	vshll.u32 v31, $0x7;
	[tilespmem:s11+$0x30] =	vst v27  }
0x7f: {  	v42 =	vld [tilespmem:s28+$0x0];
	v26 =	vand.u32 $0xFFFF0000, v26;
	v27 =	vand.u32 $0xFFFF0000, v47;
	[tilespmem:s11+$0x430] =	vst v30;
	v30 =	vor.u32 v0, v37  }
0x80: {  	v38 =	vshll.u32 v47, $0x10;
	v53 =	vand.u32 $0xFFFFFF80, v31;
	v26 =	vadd.f32 v27, v26;
	v27 =	vld.idx.msk [tilespmem:v49+s4+$0x0], $0xffff  }
0x81: {  	v50 =	vadd.f32 v38, v36;
	v31 =	vand.u32 $0x7F, v31;
	v34 =	vadd.s32 v34, v53;
	v52 =	vld [tilespmem:s2+$0x40]  }
0x82: {  	v54 =	vor.u32 v3, v29;
	v39 =	vmov s0;
	v34 =	vor.u32 v31, v34  }
0x83: {  	v35 =	vmul.f32 v50, v24;
	v31 =	vshll.u32 v32, $0x7;
	v26 =	vmul.f32 v26, v24  }
0x84: {  	v39 =	vshll.u32 v39, $0x7;
	v63 =	vshll.u32 v42, $0x10;
	v40 =	vor.u32 v0, v31;
	v30 =	vld.idx.msk [tilespmem:v30+s4+$0x0], $0xffff  }
0x85: {  	v35 =	vadd.f32 v35, v10;
	v26 =	vadd.f32 v26, v18;
	v41 =	vshll.u32 v27, $0x10  }
0x86: {  	v43 =	vshll.u32 v52, $0x10;
	v27 =	vand.u32 $0xFFFF0000, v27;
	v36 =	vand.u32 $0xFFFF0000, v52  }
0x87: {  	v55 =	vand.u32 $0xFFFFFF80, v32;
	[tilespmem:s25+$0x20] =	vst v35;
	v41 =	vadd.f32 v43, v41;
	v36 =	vadd.f32 v36, v27;
	v27 =	vld.idx.msk [tilespmem:v34+s16+$0x0], $0xffff  }
0x88: {  	v42 =	vand.u32 $0xFFFF0000, v42;
	v45 =	vld [tilespmem:s28+$0xFFFFFF80];
	v56 =	vadd.s32 v39, v55;
	[tilespmem:s25+$0x420] =	vst v26;
	v26 =	vand.u32 $0x7F, v32  }
0x89: {  	v57 =	vld.idx.msk [tilespmem:v54+s4+$0x0], $0xffff;
	v26 =	vor.u32 v26, v56;
	v58 =	vmul.f32 v41, v33;
	v62 =	vshll.u32 v30, $0x10  }
0x8a: {  	v60 =	vld [tilespmem:s2+$0xFFFFFFB0];
	v59 =	vmul.f32 v36, v33;
	v30 =	vand.u32 $0xFFFF0000, v30;
	v39 =	vadd.f32 v63, v62  }
0x8b: {  	v40 =	vld.idx.msk [tilespmem:v40+s4+$0x0], $0xffff;
	v32 =	vadd.f32 v58, v12;
	v30 =	vadd.f32 v42, v30  }
0x8c: {  	s12 =	simm.s32 $0x200;
	v35 =	vadd.f32 v59, v20;
	v39 =	vmul.f32 v39, v27  }
0x8d: {  	s13 =	simm.s32 $0x180;
	s0 =	sand.u32 $0x3800, s12;
	v47 =	vor.u32 v1, v37;
	v52 =	vshll.u32 v45, $0x10;
	[tilespmem:s11+$0x40] =	vst v32;
	v30 =	vmul.f32 v30, v27  }
0x8e: {  	s1 =	sand.u32 $0x380, s13;
	s0 =	sadd.s32 s0, s24;
	v46 =	vshll.u32 v57, $0x10;
	v34 =	vand.u32 $0xFFFF0000, v57;
	v26 =	vld.idx.msk [tilespmem:v26+s16+$0x0], $0xffff;
	[tilespmem:s11+$0x440] =	vst v35;
	v49 =	vadd.f32 v39, v8  }
0x8f: {  	s29 =	sadd.s32 s1, s0;
	v48 =	vshll.u32 v60, $0x10;
	v36 =	vand.u32 $0xFFFF0000, v60;
	v38 =	vld.idx.msk [tilespmem:v61+s4+$0x0], $0xffff;
	v30 =	vadd.f32 v30, v16  }
0x90: {  	v51 =	vshll.u32 v40, $0x10;
	v50 =	vadd.f32 v48, v46;
	v34 =	vadd.f32 v36, v34;
	v53 =	vld [tilespmem:s2+$0x50];
	[tilespmem:s29+$0x0] =	vst v49  }
0x91: {  	v55 =	vand.u32 $0xFFFF0000, v45;
	v54 =	vand.u32 $0xFFFF0000, v40;
	v36 =	vadd.f32 v52, v51;
	[tilespmem:s29+$0x400] =	vst v30  }
0x92: {  	v35 =	vadd.f32 v55, v54;
	v34 =	vmul.f32 v34, v24;
	v30 =	vmul.f32 v50, v24;
	v32 =	vld.idx.msk [tilespmem:v47+s4+$0x0], $0xffff  }
0x93: {  	v56 =	vor.u32 v4, v29;
	v57 =	vor.u32 v1, v31;
	v36 =	vmul.f32 v36, v26;
	v58 =	vld [tilespmem:s28+$0x10]  }
0x94: {  	v34 =	vadd.f32 v34, v19;
	v35 =	vmul.f32 v35, v26;
	v30 =	vadd.f32 v30, v11  }
0x95: {  	s15 =	simm.s32 $0x100;
	v59 =	vshll.u32 v38, $0x10;
	v44 =	vshll.u32 v53, $0x10;
	v38 =	vand.u32 $0xFFFF0000, v38  }
0x96: {  	s1 =	sand.u32 $0x300, s15;
	v43 =	vand.u32 $0xFFFF0000, v53;
	v36 =	vadd.f32 v36, v8;
	v42 =	vadd.f32 v44, v59;
	[tilespmem:s25+$0x430] =	vst v34  }
0x97: {  	s30 =	sadd.s32 s1, s0;
	v60 =	vadd.f32 v43, v38;
	[tilespmem:s25+$0x30] =	vst v30;
	v30 =	vadd.f32 v35, v16  }
0x98: {  	v61 =	vmul.f32 v42, v33;
	v39 =	vld.idx.msk [tilespmem:v56+s4+$0x0], $0xffff;
	[tilespmem:s30+$0x0] =	vst v36;
	v62 =	vshll.u32 v32, $0x10;
	v63 =	vshll.u32 v58, $0x10  }
0x99: {  	v45 =	vld [tilespmem:s2+$0xFFFFFFC0];
	v32 =	vand.u32 $0xFFFF0000, v32;
	v44 =	vand.u32 $0xFFFF0000, v58;
	[tilespmem:s30+$0x400] =	vst v30;
	v38 =	vadd.f32 v63, v62  }
0x9a: {  	v47 =	vor.u32 v6, v28;
	v30 =	vmul.f32 v60, v33;
	v32 =	vadd.f32 v44, v32;
	v46 =	vld.idx.msk [tilespmem:v57+s4+$0x0], $0xffff  }
0x9b: {  	v34 =	vadd.f32 v61, v13;
	v48 =	vld [tilespmem:s28+$0xFFFFFF90];
	v38 =	vmul.f32 v38, v27  }
0x9c: {  	v49 =	vor.u32 v2, v37;
	v30 =	vadd.f32 v30, v21;
	v32 =	vmul.f32 v32, v27  }
0x9d: {  	[tilespmem:s11+$0x50] =	vst v34;
	v50 =	vadd.f32 v38, v9  }
0x9e: {  	[tilespmem:s11+$0x450] =	vst v30;
	v30 =	vadd.f32 v32, v17  }
0x9f: {  	v51 =	vshll.u32 v39, $0x10;
	v52 =	vshll.u32 v45, $0x10;
	v36 =	vld.idx.msk [tilespmem:v47+s4+$0x0], $0xffff;
	[tilespmem:s29+$0x10] =	vst v50  }
0xa0: {  	v32 =	vadd.f32 v52, v51;
	v60 =	vld [tilespmem:s2+$0x60];
	v55 =	vshll.u32 v46, $0x10;
	v56 =	vshll.u32 v48, $0x10;
	[tilespmem:s29+$0x410] =	vst v30  }
0xa1: {  	v35 =	vand.u32 $0xFFFF0000, v46;
	v40 =	vand.u32 $0xFFFF0000, v48;
	v34 =	vadd.f32 v56, v55;
	v57 =	vld.idx.msk [tilespmem:v49+s4+$0x0], $0xffff  }
0xa2: {  	v53 =	vand.u32 $0xFFFF0000, v39;
	v54 =	vand.u32 $0xFFFF0000, v45;
	v35 =	vadd.f32 v40, v35;
	v58 =	vld [tilespmem:s28+$0x20]  }
0xa3: {  	v30 =	vadd.f32 v54, v53;
	v32 =	vmul.f32 v32, v24;
	v34 =	vmul.f32 v34, v26  }
0xa4: {  	v59 =	vor.u32 v5, v29;
	v61 =	vor.u32 v2, v31;
	v35 =	vmul.f32 v35, v26  }
0xa5: {  	v30 =	vmul.f32 v30, v24;
	v32 =	vadd.f32 v32, v12;
	v34 =	vadd.f32 v34, v9  }
0xa6: {  	v62 =	vshll.u32 v36, $0x10;
	v50 =	vshll.u32 v60, $0x10;
	v35 =	vadd.f32 v35, v17  }
0xa7: {  	v30 =	vadd.f32 v30, v20;
	v63 =	vshll.u32 v57, $0x10;
	v45 =	vshll.u32 v58, $0x10;
	[tilespmem:s30+$0x10] =	vst v34  }
0xa8: {  	v48 =	vand.u32 $0xFFFF0000, v57;
	v38 =	vand.u32 $0xFFFF0000, v58;
	[tilespmem:s30+$0x410] =	vst v35;
	v49 =	vadd.f32 v45, v63  }
0xa9: {  	v36 =	vand.u32 $0xFFFF0000, v36;
	v51 =	vand.u32 $0xFFFF0000, v60;
	[tilespmem:s25+$0x40] =	vst v32;
	v34 =	vadd.f32 v38, v48;
	v53 =	vld.idx.msk [tilespmem:v61+s4+$0x0], $0xffff  }
0xaa: {  	v52 =	vadd.f32 v50, v62;
	[tilespmem:s25+$0x440] =	vst v30;
	v30 =	vadd.f32 v51, v36;
	v54 =	vld [tilespmem:s28+$0xFFFFFFA0];
	v39 =	vmul.f32 v49, v27  }
0xab: {  	v55 =	vor.u32 v3, v37;
	v40 =	vld.idx.msk [tilespmem:v59+s4+$0x0], $0xffff;
	v34 =	vmul.f32 v34, v27  }
0xac: {  	v35 =	vmul.f32 v52, v33;
	v57 =	vld [tilespmem:s2+$0xFFFFFFD0];
	v30 =	vmul.f32 v30, v33;
	v56 =	vadd.f32 v39, v10  }
0xad: {  	v28 =	vor.u32 v7, v28;
	v43 =	vor.u32 v6, v29;
	v34 =	vadd.f32 v34, v18  }
0xae: {  	v30 =	vadd.f32 v30, v22;
	v39 =	vor.u32 v7, v29;
	v29 =	vadd.f32 v35, v14;
	[tilespmem:s29+$0x20] =	vst v56  }
0xaf: {  	s6 =	sadd.s32 $0x2, s26;
	v35 =	vor.u32 v3, v31;
	v58 =	vshll.u32 v53, $0x10;
	v59 =	vshll.u32 v54, $0x10;
	[tilespmem:s29+$0x420] =	vst v34  }
0xb0: {  	s0 =	sadd.s32 $0x2, s6;
	v32 =	vand.u32 $0xFFFF0000, v54;
	v61 =	vshll.u32 v40, $0x10;
	v40 =	vand.u32 $0xFFFF0000, v40;
	v36 =	vld.idx.msk [tilespmem:v55+s4+$0x0], $0xffff  }
0xb1: {  	[tilespmem:s11+$0x460] =	vst v30;
	v62 =	vshll.u32 v57, $0x10;
	v42 =	vand.u32 $0xFFFF0000, v57;
	v54 =	vor.u32 s0, v25;
	v60 =	vld [tilespmem:s28+$0x30]  }
0xb2: {  	[tilespmem:s11+$0x60] =	vst v29;
	v29 =	vand.u32 $0xFFFF0000, v53;
	v30 =	vadd.f32 v59, v58;
	v38 =	vadd.f32 v62, v61  }
0xb3: {  	s7 =	sadd.s32 $0x3, s6;
	v34 =	vor.u32 v4, v31;
	v52 =	vadd.f32 v42, v40;
	v29 =	vadd.f32 v32, v29  }
0xb4: {  	v53 =	vor.u32 s7, v25;
	v40 =	vor.u32 v5, v31;
	v28 =	vld.idx.msk [tilespmem:v28+s4+$0x0], $0xffff;
	v30 =	vmul.f32 v30, v26  }
0xb5: {  	v58 =	vor.u32 v4, v37;
	v63 =	vld [tilespmem:s2+$0x70];
	v38 =	vmul.f32 v38, v24;
	v29 =	vmul.f32 v29, v26  }
0xb6: {  	v30 =	vadd.f32 v30, v10;
	v46 =	vshll.u32 v36, $0x10;
	v47 =	vshll.u32 v60, $0x10  }
0xb7: {  	v36 =	vand.u32 $0xFFFF0000, v36;
	v32 =	vand.u32 $0xFFFF0000, v60;
	v46 =	vadd.f32 v47, v46  }
0xb8: {  	v50 =	vmov s7;
	v41 =	vmul.f32 v52, v24;
	v45 =	vld.idx.msk [tilespmem:v54+s14+$0x0], $0xffff;
	[tilespmem:s30+$0x20] =	vst v30;
	v30 =	vadd.f32 v32, v36  }
0xb9: {  	v38 =	vadd.f32 v38, v13;
	v29 =	vadd.f32 v29, v18;
	v57 =	vmul.f32 v46, v27  }
0xba: {  	v55 =	vand.u32 $0xFFFF0000, v28;
	v48 =	vand.u32 $0xFFFF0000, v63;
	v30 =	vmul.f32 v30, v27  }
0xbb: {  	v50 =	vshll.u32 v50, $0x7;
	v56 =	vadd.f32 v48, v55;
	[tilespmem:s30+$0x420] =	vst v29;
	v29 =	vld.idx.msk [tilespmem:v53+s14+$0x0], $0xffff;
	v36 =	vadd.f32 v57, v11  }
0xbc: {  	v60 =	vmov s0;
	v61 =	vshll.u32 v28, $0x10;
	v35 =	vld.idx.msk [tilespmem:v35+s4+$0x0], $0xffff;
	v30 =	vadd.f32 v30, v19  }
0xbd: {  	s1 =	sadd.s32 $0x100, s28;
	v62 =	vshll.u32 v63, $0x10;
	v59 =	vld [tilespmem:s28+$0xFFFFFFB0];
	v32 =	vmul.f32 v56, v33;
	v42 =	vshll.u32 v45, $0x7;
	[tilespmem:s29+$0x30] =	vst v36  }
0xbe: {  	v48 =	vadd.f32 v41, v21;
	v47 =	vshll.u32 v60, $0x7;
	v60 =	vld [tilespmem:s1+$0x0];
	v53 =	vor.u32 v0, v42;
	[tilespmem:s29+$0x430] =	vst v30  }
0xbf: {  	v41 =	vadd.f32 v32, v23;
	v57 =	vand.u32 $0xFFFFFF80, v45;
	v45 =	vand.u32 $0x7F, v45;
	v63 =	vld.idx.msk [tilespmem:v58+s4+$0x0], $0xffff  }
0xc0: {  	v28 =	vshll.u32 v29, $0x7;
	v52 =	vand.u32 $0xFFFFFF80, v29;
	v29 =	vand.u32 $0x7F, v29;
	v51 =	vld [tilespmem:s28+$0x40]  }
0xc1: {  	v36 =	vadd.f32 v62, v61;
	v30 =	vshll.u32 v35, $0x10;
	v56 =	vor.u32 v0, v28  }
0xc2: {  	v35 =	vand.u32 $0xFFFF0000, v35;
	v49 =	vshll.u32 v59, $0x10;
	v46 =	vand.u32 $0xFFFF0000, v59  }
0xc3: {  	v50 =	vadd.s32 v50, v52;
	v30 =	vadd.f32 v49, v30;
	v35 =	vadd.f32 v46, v35  }
0xc4: {  	v29 =	vor.u32 v29, v50;
	v46 =	vadd.s32 v47, v57;
	v57 =	vshll.u32 v60, $0x10  }
0xc5: {  	v61 =	vld.idx.msk [tilespmem:v53+s4+$0x0], $0xffff;
	v35 =	vmul.f32 v35, v26;
	v58 =	vshll.u32 v63, $0x10;
	v59 =	vshll.u32 v51, $0x10  }
0xc6: {  	v44 =	vld.idx.msk [tilespmem:v56+s4+$0x0], $0xffff;
	v32 =	vand.u32 $0xFFFF0000, v63;
	v51 =	vand.u32 $0xFFFF0000, v51;
	v49 =	vadd.f32 v59, v58  }
0xc7: {  	v45 =	vor.u32 v45, v46;
	v30 =	vmul.f32 v30, v26;
	v32 =	vadd.f32 v51, v32  }
0xc8: {  	[tilespmem:s25+$0x50] =	vst v38;
	v50 =	vld [tilespmem:s1+$0xFFFFFF80];
	v33 =	vmul.f32 v36, v33;
	v35 =	vadd.f32 v35, v19;
	v62 =	vmul.f32 v49, v27  }
0xc9: {  	v29 =	vld.idx.msk [tilespmem:v29+s16+$0x0], $0xffff;
	v51 =	vor.u32 v5, v37;
	v49 =	vadd.f32 v30, v11;
	v30 =	vmul.f32 v32, v27  }
0xca: {  	[tilespmem:s25+$0x450] =	vst v48;
	v36 =	vor.u32 v1, v42;
	v58 =	vand.u32 $0xFFFF0000, v60;
	v63 =	vadd.f32 v62, v12  }
0xcb: {  	v43 =	vld.idx.msk [tilespmem:v43+s4+$0x0], $0xffff;
	v60 =	vshll.u32 v61, $0x10;
	[tilespmem:s30+$0x430] =	vst v35;
	v56 =	vshll.u32 v44, $0x10;
	v59 =	vadd.f32 v30, v20  }
0xcc: {  	v61 =	vand.u32 $0xFFFF0000, v61;
	v44 =	vand.u32 $0xFFFF0000, v44;
	v46 =	vadd.f32 v57, v56;
	v30 =	vld.idx.msk [tilespmem:v45+s16+$0x0], $0xffff;
	[tilespmem:s29+$0x40] =	vst v63  }
0xcd: {  	v47 =	vld [tilespmem:s2+$0xFFFFFFE0];
	v35 =	vor.u32 v4, v42;
	v32 =	vor.u32 v6, v31;
	v44 =	vadd.f32 v58, v44;
	[tilespmem:s29+$0x440] =	vst v59  }
0xce: {  	s12 =	simm.s32 $0x400;
	v62 =	vshll.u32 v50, $0x10;
	v56 =	vand.u32 $0xFFFF0000, v50;
	v46 =	vmul.f32 v46, v29;
	v57 =	vld.idx.msk [tilespmem:v51+s4+$0x0], $0xffff  }
0xcf: {  	s13 =	simm.s32 $0x280;
	s8 =	sand.u32 $0x3800, s12;
	v38 =	vadd.f32 v62, v60;
	v44 =	vmul.f32 v44, v29;
	v63 =	vor.u32 v1, v28;
	v58 =	vld [tilespmem:s28+$0x50]  }
0xd0: {  	s6 =	sand.u32 $0x380, s13;
	s0 =	sadd.s32 s8, s24;
	v62 =	vshll.u32 v43, $0x10;
	v59 =	vadd.f32 v56, v61;
	v46 =	vadd.f32 v46, v8  }
0xd1: {  	s31 =	sadd.s32 s6, s0;
	[tilespmem:s30+$0x30] =	vst v49;
	v43 =	vand.u32 $0xFFFF0000, v43;
	v44 =	vadd.f32 v44, v16;
	v60 =	vmul.f32 v38, v30  }
0xd2: {  	v45 =	vld.idx.msk [tilespmem:v34+s4+$0x0], $0xffff;
	v56 =	vshll.u32 v47, $0x10;
	v47 =	vand.u32 $0xFFFF0000, v47;
	v61 =	vmul.f32 v59, v30;
	[tilespmem:s31+$0x0] =	vst v46  }
0xd3: {  	s13 =	simm.s32 $0x200;
	v31 =	vor.u32 v7, v31;
	v49 =	vld [tilespmem:s28+$0xFFFFFFC0];
	v43 =	vadd.f32 v47, v43;
	[tilespmem:s31+$0x400] =	vst v44;
	v34 =	vadd.f32 v60, v8  }
0xd4: {  	s15 =	sand.u32 $0x300, s13;
	v52 =	vld.idx.msk [tilespmem:v63+s4+$0x0], $0xffff;
	v51 =	vadd.f32 v61, v16;
	v63 =	vshll.u32 v57, $0x10;
	v55 =	vshll.u32 v58, $0x10  }
0xd5: {  	s0 =	sadd.s32 s15, s0;
	v54 =	vld [tilespmem:s1+$0x10];
	v50 =	vand.u32 $0xFFFF0000, v57;
	v48 =	vand.u32 $0xFFFF0000, v58;
	v53 =	vadd.f32 v55, v63  }
0xd6: {  	v38 =	vor.u32 v3, v42;
	v44 =	vadd.f32 v56, v62;
	v48 =	vadd.f32 v48, v50;
	[tilespmem:s0+$0x0] =	vst v34  }
0xd7: {  	v59 =	vshll.u32 v45, $0x10;
	v45 =	vand.u32 $0xFFFF0000, v45;
	[tilespmem:s0+$0x400] =	vst v51;
	v61 =	vmul.f32 v53, v27  }
0xd8: {  	v60 =	vshll.u32 v49, $0x10;
	v55 =	vor.u32 v6, v37;
	v62 =	vld.idx.msk [tilespmem:v36+s4+$0x0], $0xffff;
	v48 =	vmul.f32 v48, v27  }
0xd9: {  	v49 =	vand.u32 $0xFFFF0000, v49;
	v50 =	vadd.f32 v60, v59;
	v51 =	vadd.f32 v61, v13  }
0xda: {  	v57 =	vld [tilespmem:s1+$0xFFFFFF90];
	v63 =	vshll.u32 v52, $0x10;
	v60 =	vshll.u32 v54, $0x10;
	v48 =	vadd.f32 v48, v21  }
0xdb: {  	v52 =	vand.u32 $0xFFFF0000, v52;
	v54 =	vand.u32 $0xFFFF0000, v54;
	v56 =	vadd.f32 v60, v63;
	[tilespmem:s29+$0x50] =	vst v51  }
0xdc: {  	v43 =	vmul.f32 v43, v24;
	v45 =	vadd.f32 v49, v45;
	v61 =	vadd.f32 v54, v52;
	[tilespmem:s29+$0x450] =	vst v48  }
0xdd: {  	v48 =	vshll.u32 v62, $0x10;
	v51 =	vand.u32 $0xFFFF0000, v62;
	v62 =	vmul.f32 v56, v29;
	v53 =	vld.idx.msk [tilespmem:v55+s4+$0x0], $0xffff  }
0xde: {  	v45 =	vmul.f32 v45, v26;
	v60 =	vor.u32 v2, v28;
	v49 =	vmul.f32 v61, v29;
	v61 =	vld [tilespmem:s28+$0x60]  }
0xdf: {  	v50 =	vmul.f32 v50, v26;
	v63 =	vshll.u32 v57, $0x10;
	v52 =	vadd.f32 v62, v9  }
0xe0: {  	v57 =	vand.u32 $0xFFFF0000, v57;
	v48 =	vadd.f32 v63, v48;
	v49 =	vadd.f32 v49, v17  }
0xe1: {  	v46 =	vor.u32 v2, v42;
	v44 =	vmul.f32 v44, v24;
	v51 =	vadd.f32 v57, v51;
	[tilespmem:s31+$0x10] =	vst v52  }
0xe2: {  	v45 =	vadd.f32 v45, v20;
	v50 =	vadd.f32 v50, v12;
	v48 =	vmul.f32 v48, v30;
	[tilespmem:s31+$0x410] =	vst v49  }
0xe3: {  	v51 =	vmul.f32 v51, v30;
	v49 =	vld.idx.msk [tilespmem:v60+s4+$0x0], $0xffff;
	v62 =	vshll.u32 v53, $0x10;
	v63 =	vshll.u32 v61, $0x10  }
0xe4: {  	v55 =	vld [tilespmem:s1+$0x20];
	v53 =	vand.u32 $0xFFFF0000, v53;
	v56 =	vand.u32 $0xFFFF0000, v61;
	v52 =	vadd.f32 v63, v62  }
0xe5: {  	v34 =	vor.u32 v5, v42;
	[tilespmem:s30+$0x440] =	vst v45;
	v48 =	vadd.f32 v48, v9;
	v58 =	vadd.f32 v56, v53  }
0xe6: {  	v37 =	vor.u32 v7, v37;
	[tilespmem:s30+$0x40] =	vst v50;
	v59 =	vadd.f32 v51, v17;
	v60 =	vmul.f32 v52, v27  }
0xe7: {  	v44 =	vadd.f32 v44, v14;
	v40 =	vld.idx.msk [tilespmem:v40+s4+$0x0], $0xffff;
	[tilespmem:s0+$0x10] =	vst v48;
	v61 =	vmul.f32 v58, v27  }
0xe8: {  	v36 =	vor.u32 v6, v42;
	v50 =	vld [tilespmem:s28+$0xFFFFFFD0];
	v51 =	vadd.f32 v33, v15;
	[tilespmem:s0+$0x410] =	vst v59;
	v62 =	vadd.f32 v60, v14  }
0xe9: {  	v45 =	vld.idx.msk [tilespmem:v46+s4+$0x0], $0xffff;
	v63 =	vshll.u32 v49, $0x10;
	v56 =	vshll.u32 v55, $0x10;
	v48 =	vadd.f32 v61, v22  }
0xea: {  	v52 =	vld [tilespmem:s1+$0xFFFFFFA0];
	v49 =	vand.u32 $0xFFFF0000, v49;
	v57 =	vand.u32 $0xFFFF0000, v55;
	v46 =	vadd.f32 v56, v63;
	[tilespmem:s29+$0x60] =	vst v62  }
0xeb: {  	v33 =	vor.u32 v7, v42;
	v58 =	vadd.f32 v43, v22;
	v59 =	vadd.f32 v57, v49;
	[tilespmem:s29+$0x460] =	vst v48  }
0xec: {  	v60 =	vshll.u32 v40, $0x10;
	v48 =	vand.u32 $0xFFFF0000, v40;
	v46 =	vmul.f32 v46, v29;
	v40 =	vld.idx.msk [tilespmem:v37+s4+$0x0], $0xffff  }
0xed: {  	[tilespmem:s25+$0x60] =	vst v44;
	v53 =	vor.u32 v3, v28;
	v61 =	vshll.u32 v50, $0x10;
	v43 =	vmul.f32 v59, v29;
	v37 =	vld [tilespmem:s28+$0x70]  }
0xee: {  	[tilespmem:s25+$0x460] =	vst v58;
	v47 =	vadd.f32 v61, v60;
	v62 =	vand.u32 $0xFFFF0000, v50;
	v46 =	vadd.f32 v46, v10  }
0xef: {  	v42 =	vld.idx.msk [tilespmem:v39+s4+$0x0], $0xffff;
	v63 =	vshll.u32 v45, $0x10;
	v57 =	vshll.u32 v52, $0x10;
	v58 =	vadd.f32 v43, v18  }
0xf0: {  	v59 =	vand.u32 $0xFFFF0000, v45;
	v60 =	vand.u32 $0xFFFF0000, v52;
	v49 =	vadd.f32 v57, v63;
	[tilespmem:s31+$0x20] =	vst v46  }
0xf1: {  	v39 =	vld [tilespmem:s2+$0xFFFFFFF0];
	v44 =	vadd.f32 v62, v48;
	v61 =	vadd.f32 v60, v59;
	v43 =	vmul.f32 v47, v26;
	[tilespmem:s31+$0x420] =	vst v58  }
0xf2: {  	[tilespmem:s11+$0x470] =	vst v41;
	v47 =	vmul.f32 v49, v30;
	v45 =	vld.idx.msk [tilespmem:v53+s4+$0x0], $0xffff;
	v62 =	vand.u32 $0xFFFF0000, v40;
	v63 =	vand.u32 $0xFFFF0000, v37  }
0xf3: {  	s15 =	simm.s32 $0x4;
	[tilespmem:s11+$0x70] =	vst v51;
	s11 =	smov.u32 s1;
	s2 =	sshll.u32 s22, $0x6;
	v44 =	vmul.f32 v44, v26;
	v48 =	vmul.f32 v61, v30;
	v46 =	vld [tilespmem:s1+$0x30];
	v41 =	vadd.f32 v63, v62  }
.LBB2_3:
0xf4: {  	s6 =	sadd.s32 s15, s26;
	v47 =	vadd.f32 v47, v10;
	v43 =	vadd.f32 v43, v13;
	v49 =	vshll.u32 v42, $0x10  }
0xf5: {  	s7 =	sadd.s32 $0x2, s6;
	s6 =	sadd.s32 $0x3, s6;
	v48 =	vadd.f32 v48, v18;
	v44 =	vadd.f32 v44, v21;
	v41 =	vmul.f32 v41, v27  }
0xf6: {  	v50 =	vmov s7;
	v51 =	vor.u32 s7, v25;
	v52 =	vor.u32 s6, v25;
	[tilespmem:s0+$0x20] =	vst v47  }
0xf7: {  	v42 =	vand.u32 $0xFFFF0000, v42;
	v47 =	vshll.u32 v50, $0x7;
	[tilespmem:s0+$0x420] =	vst v48;
	v41 =	vadd.f32 v41, v23  }
0xf8: {  	v40 =	vshll.u32 v40, $0x10;
	v48 =	vshll.u32 v45, $0x10;
	v38 =	vld.idx.msk [tilespmem:v38+s4+$0x0], $0xffff;
	v50 =	vshll.u32 v46, $0x10;
	[tilespmem:s30+$0x50] =	vst v43  }
0xf9: {  	v45 =	vand.u32 $0xFFFF0000, v45;
	v46 =	vand.u32 $0xFFFF0000, v46;
	v43 =	vld [tilespmem:s1+$0xFFFFFFB0];
	v48 =	vadd.f32 v50, v48;
	[tilespmem:s29+$0x470] =	vst v41  }
0xfa: {  	v41 =	vadd.f32 v46, v45;
	[tilespmem:s30+$0x450] =	vst v44;
	v44 =	vshll.u32 v39, $0x10;
	v39 =	vand.u32 $0xFFFF0000, v39  }
0xfb: {  	s15 =	sadd.s32 $0x2, s15;
	v37 =	vshll.u32 v37, $0x10;
	v45 =	vld.idx.msk [tilespmem:v52+s14+$0x0], $0xffff;
	v46 =	vmul.f32 v48, v29;
	v44 =	vadd.f32 v44, v49  }
0xfc: {  	p1 =	slt.u32 s15, $0x3E;
	v41 =	vmul.f32 v41, v29;
	v49 =	vor.u32 v4, v28;
	v39 =	vadd.f32 v39, v42;
	v48 =	vld.idx.msk [tilespmem:v51+s14+$0x0], $0xffff  }
0xfd: {  	v37 =	vadd.f32 v37, v40;
	v42 =	vadd.f32 v46, v11;
	v46 =	vld.idx.msk [tilespmem:v32+s4+$0x0], $0xffff;
	v40 =	vmul.f32 v44, v24  }
0xfe: {  	v44 =	vshll.u32 v38, $0x10;
	v38 =	vand.u32 $0xFFFF0000, v38;
	v41 =	vadd.f32 v41, v19;
	v32 =	vmovc v36;
	v50 =	vld [tilespmem:s28+$0xFFFFFFE0]  }
0xff: {  	v36 =	vshll.u32 v43, $0x10;
	v43 =	vand.u32 $0xFFFF0000, v43;
	[tilespmem:s31+$0x30] =	vst v42;
	v42 =	vmul.f32 v39, v24;
	v24 =	vmovc v26;
	v26 =	vmovc v30  }
0x100: {  	v30 =	vadd.f32 v36, v44;
	v36 =	vadd.f32 v43, v38;
	v39 =	vmul.f32 v37, v27;
	[tilespmem:s31+$0x430] =	vst v41  }
0x101: {  	v38 =	vadd.f32 v40, v15;
	v27 =	vmovc v29;
	v37 =	vshll.u32 v45, $0x7;
	v41 =	vld.idx.msk [tilespmem:v49+s4+$0x0], $0xffff;
	v40 =	vadd.f32 v42, v23  }
0x102: {  	v29 =	vmov s6;
	v42 =	vshll.u32 v48, $0x7;
	v43 =	vor.u32 v0, v37;
	v44 =	vld [tilespmem:s1+$0x40]  }
0x103: {  	v51 =	vand.u32 $0xFFFFFF80, v45;
	v29 =	vshll.u32 v29, $0x7;
	v49 =	vor.u32 v0, v42;
	[tilespmem:s25+$0x70] =	vst v38  }
0x104: {  	v45 =	vand.u32 $0x7F, v45;
	v29 =	vadd.s32 v29, v51;
	v38 =	vand.u32 $0xFFFFFF80, v48;
	[tilespmem:s25+$0x470] =	vst v40;
	s25 =	smov.u32 s30;
	s30 =	smov.u32 s0  }
0x105: {  	v29 =	vor.u32 v45, v29;
	v40 =	vand.u32 $0x7F, v48;
	v38 =	vadd.s32 v47, v38  }
0x106: {  	v47 =	vor.u32 v1, v42;
	v45 =	vor.u32 v40, v38;
	v40 =	vor.u32 v2, v42  }
0x107: {  	s1 =	sadd.s32 $0x100, s1;
	v38 =	vor.u32 v3, v42;
	v48 =	vshll.u32 v41, $0x10;
	v43 =	vld.idx.msk [tilespmem:v43+s4+$0x0], $0xffff;
	v51 =	vshll.u32 v44, $0x10  }
0x108: {  	v41 =	vand.u32 $0xFFFF0000, v41;
	v44 =	vand.u32 $0xFFFF0000, v44;
	v52 =	vld [tilespmem:s1+$0x0];
	v48 =	vadd.f32 v51, v48  }
0x109: {  	v30 =	vmul.f32 v30, v26;
	v51 =	vmul.f32 v36, v26;
	v36 =	vadd.f32 v44, v41;
	v49 =	vld.idx.msk [tilespmem:v49+s4+$0x0], $0xffff  }
0x10a: {  	v44 =	vor.u32 v4, v42;
	v41 =	vor.u32 v5, v42;
	v29 =	vld.idx.msk [tilespmem:v29+s16+$0x0], $0xffff;
	v48 =	vmul.f32 v48, v27  }
0x10b: {  	v56 =	vor.u32 v5, v28;
	v54 =	vadd.f32 v30, v11;
	v55 =	vmul.f32 v36, v27;
	v53 =	vld [tilespmem:s1+$0xFFFFFF80]  }
0x10c: {  	v36 =	vor.u32 v6, v42;
	v30 =	vld.idx.msk [tilespmem:v45+s16+$0x0], $0xffff;
	v45 =	vadd.f32 v51, v19;
	v48 =	vadd.f32 v48, v12  }
0x10d: {  	v51 =	vshll.u32 v43, $0x10;
	v57 =	vshll.u32 v52, $0x10;
	[tilespmem:s30+$0x30] =	vst v54;
	v54 =	vadd.f32 v55, v20  }
0x10e: {  	v43 =	vand.u32 $0xFFFF0000, v43;
	v52 =	vand.u32 $0xFFFF0000, v52;
	v51 =	vadd.f32 v57, v51;
	[tilespmem:s31+$0x40] =	vst v48  }
0x10f: {  	v48 =	vshll.u32 v49, $0x10;
	v49 =	vand.u32 $0xFFFF0000, v49;
	v43 =	vadd.f32 v52, v43;
	[tilespmem:s31+$0x440] =	vst v54  }
0x110: {  	s12 =	sadd.s32 $0x200, s12;
	s13 =	sadd.s32 $0x100, s13;
	v52 =	vshll.u32 v53, $0x10;
	v53 =	vand.u32 $0xFFFF0000, v53;
	v51 =	vmul.f32 v51, v29;
	[tilespmem:s30+$0x430] =	vst v45;
	v45 =	vld.idx.msk [tilespmem:v56+s4+$0x0], $0xffff  }
0x111: {  	s7 =	sadd.s32 $0x80, s13;
	s6 =	sand.u32 $0x300, s13;
	s0 =	sand.u32 $0x3800, s12;
	v43 =	vmul.f32 v43, v29;
	v48 =	vadd.f32 v52, v48;
	v52 =	vor.u32 v1, v37;
	v54 =	vld [tilespmem:s11+$0x50]  }
0x112: {  	s7 =	sand.u32 $0x380, s7;
	s8 =	sadd.s32 s0, s24;
	v55 =	vshll.u32 v46, $0x10;
	v49 =	vadd.f32 v53, v49;
	v51 =	vadd.f32 v51, v8;
	v53 =	vld.idx.msk [tilespmem:v35+s4+$0x0], $0xffff;
	v35 =	vmovc v44  }
0x113: {  	s0 =	sadd.s32 s6, s8;
	s6 =	sadd.s32 s7, s8;
	v46 =	vand.u32 $0xFFFF0000, v46;
	v44 =	vmul.f32 v48, v30;
	v48 =	vadd.f32 v43, v16;
	v56 =	vld [tilespmem:s11+$0xFFFFFFC0]  }
0x114: {  	v49 =	vmul.f32 v49, v30;
	[tilespmem:s6+$0x0] =	vst v51;
	v51 =	vshll.u32 v50, $0x10;
	v50 =	vand.u32 $0xFFFF0000, v50  }
0x115: {  	v43 =	vor.u32 v7, v42;
	v44 =	vadd.f32 v44, v8;
	[tilespmem:s6+$0x400] =	vst v48;
	v42 =	vadd.f32 v51, v55  }
0x116: {  	v48 =	vadd.f32 v49, v16;
	v51 =	vshll.u32 v45, $0x10;
	v49 =	vld.idx.msk [tilespmem:v52+s4+$0x0], $0xffff;
	v52 =	vshll.u32 v54, $0x10  }
0x117: {  	v45 =	vand.u32 $0xFFFF0000, v45;
	v54 =	vand.u32 $0xFFFF0000, v54;
	[tilespmem:s0+$0x0] =	vst v44;
	v44 =	vld [tilespmem:s1+$0x10];
	v51 =	vadd.f32 v52, v51  }
0x118: {  	v52 =	vand.u32 $0xFFFF0000, v53;
	v45 =	vadd.f32 v54, v45;
	[tilespmem:s0+$0x400] =	vst v48;
	v48 =	vshll.u32 v53, $0x10  }
0x119: {  	v53 =	vshll.u32 v56, $0x10;
	v54 =	vand.u32 $0xFFFF0000, v56;
	v47 =	vld.idx.msk [tilespmem:v47+s4+$0x0], $0xffff;
	v51 =	vmul.f32 v51, v27  }
0x11a: {  	v48 =	vadd.f32 v53, v48;
	v45 =	vmul.f32 v45, v27;
	v53 =	vor.u32 v6, v28;
	v55 =	vld [tilespmem:s1+$0xFFFFFF90]  }
0x11b: {  	v42 =	vmul.f32 v42, v24;
	v52 =	vadd.f32 v54, v52;
	v51 =	vadd.f32 v51, v13  }
0x11c: {  	v54 =	vshll.u32 v49, $0x10;
	v45 =	vadd.f32 v45, v21;
	v56 =	vshll.u32 v44, $0x10  }
0x11d: {  	v49 =	vand.u32 $0xFFFF0000, v49;
	v44 =	vand.u32 $0xFFFF0000, v44;
	v54 =	vadd.f32 v56, v54;
	[tilespmem:s31+$0x50] =	vst v51  }
0x11e: {  	v48 =	vmul.f32 v48, v26;
	v44 =	vadd.f32 v44, v49;
	v49 =	vmul.f32 v52, v26;
	[tilespmem:s31+$0x450] =	vst v45  }
0x11f: {  	v45 =	vshll.u32 v47, $0x10;
	v47 =	vand.u32 $0xFFFF0000, v47;
	v51 =	vmul.f32 v54, v29;
	v52 =	vld.idx.msk [tilespmem:v53+s4+$0x0], $0xffff  }
0x120: {  	v53 =	vshll.u32 v55, $0x10;
	v44 =	vmul.f32 v44, v29;
	v54 =	vor.u32 v2, v37;
	v56 =	vld [tilespmem:s11+$0x60]  }
0x121: {  	v55 =	vand.u32 $0xFFFF0000, v55;
	v45 =	vadd.f32 v53, v45;
	v51 =	vadd.f32 v51, v9  }
0x122: {  	v47 =	vadd.f32 v55, v47;
	v44 =	vadd.f32 v44, v17  }
0x123: {  	v48 =	vadd.f32 v48, v12;
	v49 =	vadd.f32 v49, v20;
	v45 =	vmul.f32 v45, v30;
	[tilespmem:s6+$0x10] =	vst v51  }
0x124: {  	v42 =	vadd.f32 v42, v14;
	v47 =	vmul.f32 v47, v30;
	[tilespmem:s6+$0x410] =	vst v44;
	v44 =	vadd.f32 v50, v46  }
0x125: {  	v45 =	vadd.f32 v45, v9;
	v46 =	vld.idx.msk [tilespmem:v54+s4+$0x0], $0xffff;
	[tilespmem:s30+$0x40] =	vst v48;
	v48 =	vshll.u32 v52, $0x10;
	v50 =	vshll.u32 v56, $0x10  }
0x126: {  	v51 =	vld [tilespmem:s1+$0x20];
	[tilespmem:s30+$0x440] =	vst v49;
	v49 =	vand.u32 $0xFFFF0000, v52;
	v52 =	vand.u32 $0xFFFF0000, v56;
	v48 =	vadd.f32 v50, v48  }
0x127: {  	[tilespmem:s0+$0x10] =	vst v45;
	v45 =	vadd.f32 v47, v17;
	v47 =	vld.idx.msk [tilespmem:v34+s4+$0x0], $0xffff;
	v49 =	vadd.f32 v52, v49;
	v34 =	vmov v41  }
0x128: {  	v39 =	vadd.f32 v39, v15;
	v41 =	vld [tilespmem:s11+$0xFFFFFFD0];
	v48 =	vmul.f32 v48, v27;
	[tilespmem:s25+$0x60] =	vst v42;
	v42 =	vmul.f32 v44, v24  }
0x129: {  	[tilespmem:s0+$0x410] =	vst v45;
	v44 =	vmul.f32 v49, v27;
	v45 =	vor.u32 v7, v28;
	v28 =	vmov v37  }
0x12a: {  	v49 =	vld.idx.msk [tilespmem:v40+s4+$0x0], $0xffff;
	v37 =	vadd.f32 v48, v14;
	v42 =	vadd.f32 v42, v22;
	[tilespmem:s29+$0x70] =	vst v39;
	s29 =	smov.u32 s31;
	s31 =	smov.u32 s6  }
0x12b: {  	v40 =	vshll.u32 v46, $0x10;
	v39 =	vld [tilespmem:s1+$0xFFFFFFA0];
	v48 =	vshll.u32 v51, $0x10;
	v44 =	vadd.f32 v44, v22  }
0x12c: {  	v46 =	vand.u32 $0xFFFF0000, v46;
	v50 =	vand.u32 $0xFFFF0000, v51;
	v40 =	vadd.f32 v48, v40;
	[tilespmem:s29+$0x60] =	vst v37  }
0x12d: {  	v37 =	vadd.f32 v50, v46;
	v46 =	vshll.u32 v47, $0x10;
	v47 =	vand.u32 $0xFFFF0000, v47;
	[tilespmem:s29+$0x460] =	vst v44  }
0x12e: {  	v48 =	vshll.u32 v41, $0x10;
	v41 =	vand.u32 $0xFFFF0000, v41;
	v44 =	vmul.f32 v40, v29;
	v40 =	vld.idx.msk [tilespmem:v45+s4+$0x0], $0xffff;
	[tilespmem:s25+$0x460] =	vst v42  }
0x12f: {  	v50 =	vor.u32 v3, v28;
	v45 =	vmul.f32 v37, v29;
	v46 =	vadd.f32 v48, v46;
	v37 =	vld [tilespmem:s11+$0x70]  }
0x130: {  	v48 =	vshll.u32 v49, $0x10;
	v49 =	vand.u32 $0xFFFF0000, v49;
	v44 =	vadd.f32 v44, v10;
	v42 =	vld.idx.msk [tilespmem:v31+s4+$0x0], $0xffff;
	v31 =	vmovc v33;
	v33 =	vmovc v43  }
.Ltmp0:
0x131: {  	v43 =	vshll.u32 v39, $0x10;
	v51 =	vand.u32 $0xFFFF0000, v39;
	v45 =	vadd.f32 v45, v18;
	v39 =	vld [tilespmem:s28+$0xFFFFFFF0];
	s28 =	smov.u32 s11;
	s11 =	smov.u32 s1;
	(pc) =	sbr.rel @p1 .LBB2_3-.Ltmp0, $4  }
0x132: {  	v48 =	vadd.f32 v43, v48;
	v49 =	vadd.f32 v51, v49;
	v43 =	vmul.f32 v46, v26;
	[tilespmem:s31+$0x20] =	vst v44  }
0x133: {  	v41 =	vadd.f32 v41, v47;
	[tilespmem:s31+$0x420] =	vst v45  }
0x134: {  	v47 =	vmul.f32 v48, v30;
	v45 =	vld.idx.msk [tilespmem:v50+s4+$0x0], $0xffff;
	v50 =	vand.u32 $0xFFFF0000, v40;
	v51 =	vand.u32 $0xFFFF0000, v37  }
0x135: {  	v44 =	vmul.f32 v41, v26;
	v48 =	vmul.f32 v49, v30;
	v46 =	vld [tilespmem:s1+$0x30];
	v41 =	vadd.f32 v51, v50  }
0x136: {  	v25 =	vadd.f32 v47, v10  }
0x137: {  	v58 =	vadd.f32 v48, v18  }
0x138: {  	[tilespmem:s0+$0x20] =	vst v25  }
0x139: {  	[tilespmem:s0+$0x420] =	vst v58;
	v59 =	vshll.u32 v45, $0x10  }
0x13a: {  	v61 =	vand.u32 $0xFFFF0000, v45;
	v60 =	vshll.u32 v46, $0x10;
	v38 =	vld.idx.msk [tilespmem:v38+s4+$0x0], $0xffff;
	v62 =	vand.u32 $0xFFFF0000, v46  }
0x13b: {  	v63 =	vld [tilespmem:s1+$0xFFFFFFB0];
	v25 =	vadd.f32 v60, v59;
	v45 =	vadd.f32 v62, v61;
	_ =	sdelay $0x1  }
0x13c: {  	v25 =	vmul.f32 v25, v29;
	v45 =	vmul.f32 v45, v29  }
0x13d: {  	v52 =	vor.u32 v4, v28  }
0x13e: {  	v25 =	vadd.f32 v25, v11;
	v45 =	vadd.f32 v45, v19  }
0x13f: {  	v53 =	vshll.u32 v38, $0x10;
	v38 =	vand.u32 $0xFFFF0000, v38;
	v47 =	vand.u32 $0xFFFF0000, v63  }
0x140: {  	v54 =	vshll.u32 v63, $0x10;
	v38 =	vadd.f32 v47, v38;
	[tilespmem:s31+$0x30] =	vst v25  }
0x141: {  	v25 =	vadd.f32 v54, v53;
	[tilespmem:s31+$0x430] =	vst v45  }
0x142: {  	v45 =	vld.idx.msk [tilespmem:v52+s4+$0x0], $0xffff;
	v38 =	vmul.f32 v38, v30  }
0x143: {  	v55 =	vld [tilespmem:s1+$0x40];
	v25 =	vmul.f32 v25, v30  }
0x144: {  	v38 =	vadd.f32 v38, v19  }
0x145: {  	v25 =	vadd.f32 v25, v11  }
0x146: {  	[tilespmem:s0+$0x430] =	vst v38  }
0x147: {  	[tilespmem:s0+$0x30] =	vst v25  }
0x148: {  	v56 =	vshll.u32 v45, $0x10;
	v57 =	vshll.u32 v55, $0x10;
	v35 =	vld.idx.msk [tilespmem:v35+s4+$0x0], $0xffff  }
0x149: {  	v58 =	vand.u32 $0xFFFF0000, v45;
	v59 =	vand.u32 $0xFFFF0000, v55;
	v25 =	vadd.f32 v57, v56;
	v60 =	vld [tilespmem:s11+$0xFFFFFFC0]  }
0x14a: {  	v38 =	vadd.f32 v59, v58  }
0x14b: {  	v25 =	vmul.f32 v25, v29  }
0x14c: {  	v61 =	vor.u32 v5, v28;
	v38 =	vmul.f32 v38, v29  }
0x14d: {  	v25 =	vadd.f32 v25, v12  }
0x14e: {  	v38 =	vadd.f32 v38, v20;
	v62 =	vshll.u32 v35, $0x10;
	v63 =	vshll.u32 v60, $0x10  }
0x14f: {  	v35 =	vand.u32 $0xFFFF0000, v35;
	v48 =	vand.u32 $0xFFFF0000, v60;
	[tilespmem:s31+$0x40] =	vst v25;
	v25 =	vadd.f32 v63, v62  }
0x150: {  	[tilespmem:s31+$0x440] =	vst v38;
	v35 =	vadd.f32 v48, v35  }
0x151: {  	v49 =	vld.idx.msk [tilespmem:v61+s4+$0x0], $0xffff;
	v25 =	vmul.f32 v25, v30  }
0x152: {  	v50 =	vld [tilespmem:s11+$0x50];
	v35 =	vmul.f32 v35, v30  }
0x153: {  	v25 =	vadd.f32 v25, v12  }
0x154: {  	v35 =	vadd.f32 v35, v20  }
0x155: {  	[tilespmem:s0+$0x40] =	vst v25  }
0x156: {  	[tilespmem:s0+$0x440] =	vst v35  }
0x157: {  	v51 =	vshll.u32 v49, $0x10;
	v52 =	vshll.u32 v50, $0x10;
	v34 =	vld.idx.msk [tilespmem:v34+s4+$0x0], $0xffff  }
0x158: {  	v53 =	vand.u32 $0xFFFF0000, v49;
	v38 =	vand.u32 $0xFFFF0000, v50;
	v25 =	vadd.f32 v52, v51;
	v54 =	vld [tilespmem:s11+$0xFFFFFFD0]  }
0x159: {  	v43 =	vadd.f32 v43, v13;
	v35 =	vadd.f32 v38, v53  }
0x15a: {  	v44 =	vadd.f32 v44, v21;
	v25 =	vmul.f32 v25, v29  }
0x15b: {  	[tilespmem:s30+$0x50] =	vst v43;
	v35 =	vmul.f32 v35, v29  }
0x15c: {  	[tilespmem:s30+$0x450] =	vst v44;
	v55 =	vor.u32 v6, v28;
	v25 =	vadd.f32 v25, v13  }
0x15d: {  	v32 =	vld.idx.msk [tilespmem:v32+s4+$0x0], $0xffff;
	v35 =	vadd.f32 v35, v21;
	v56 =	vshll.u32 v34, $0x10;
	v57 =	vshll.u32 v54, $0x10  }
0x15e: {  	v44 =	vld [tilespmem:s28+$0xFFFFFFE0];
	v34 =	vand.u32 $0xFFFF0000, v34;
	v58 =	vand.u32 $0xFFFF0000, v54;
	[tilespmem:s31+$0x50] =	vst v25;
	v25 =	vadd.f32 v57, v56  }
0x15f: {  	v34 =	vadd.f32 v58, v34  }
0x160: {  	[tilespmem:s31+$0x450] =	vst v35;
	v25 =	vmul.f32 v25, v30  }
0x161: {  	v59 =	vld.idx.msk [tilespmem:v55+s4+$0x0], $0xffff;
	v34 =	vmul.f32 v34, v30  }
0x162: {  	v61 =	vshll.u32 v32, $0x10;
	v60 =	vld [tilespmem:s11+$0x60];
	v25 =	vadd.f32 v25, v13  }
0x163: {  	v32 =	vand.u32 $0xFFFF0000, v32;
	v51 =	vand.u32 $0xFFFF0000, v44;
	v34 =	vadd.f32 v34, v21  }
0x164: {  	v32 =	vadd.f32 v51, v32;
	[tilespmem:s0+$0x50] =	vst v25  }
0x165: {  	[tilespmem:s0+$0x450] =	vst v34  }
0x166: {  	v62 =	vshll.u32 v44, $0x10;
	v32 =	vmul.f32 v32, v26;
	v36 =	vld.idx.msk [tilespmem:v36+s4+$0x0], $0xffff  }
0x167: {  	v48 =	vand.u32 $0xFFFF0000, v59;
	v35 =	vand.u32 $0xFFFF0000, v60;
	v25 =	vadd.f32 v62, v61;
	v50 =	vld [tilespmem:s11+$0xFFFFFFE0]  }
0x168: {  	v45 =	vshll.u32 v59, $0x10;
	v63 =	vshll.u32 v60, $0x10;
	v34 =	vadd.f32 v35, v48  }
0x169: {  	v52 =	vor.u32 v7, v28;
	v49 =	vadd.f32 v63, v45;
	v25 =	vmul.f32 v25, v26  }
0x16a: {  	v53 =	vshll.u32 v42, $0x10;
	v32 =	vadd.f32 v32, v22;
	v34 =	vmul.f32 v34, v29  }
0x16b: {  	v58 =	vand.u32 $0xFFFF0000, v42;
	v38 =	vmul.f32 v49, v29;
	v25 =	vadd.f32 v25, v14  }
0x16c: {  	[tilespmem:s30+$0x460] =	vst v32;
	v34 =	vadd.f32 v34, v22;
	v54 =	vshll.u32 v36, $0x10;
	v55 =	vshll.u32 v50, $0x10  }
0x16d: {  	v56 =	vand.u32 $0xFFFF0000, v36;
	v35 =	vand.u32 $0xFFFF0000, v50;
	[tilespmem:s30+$0x60] =	vst v25;
	v57 =	vadd.f32 v55, v54  }
0x16e: {  	v59 =	vshll.u32 v40, $0x10;
	v38 =	vadd.f32 v38, v14;
	[tilespmem:s31+$0x460] =	vst v34;
	v34 =	vadd.f32 v35, v56  }
0x16f: {  	v60 =	vshll.u32 v39, $0x10;
	v62 =	vand.u32 $0xFFFF0000, v39;
	v31 =	vld.idx.msk [tilespmem:v31+s4+$0x0], $0xffff;
	v36 =	vmul.f32 v57, v30  }
0x170: {  	v40 =	vadd.f32 v60, v53;
	v43 =	vadd.f32 v62, v58;
	[tilespmem:s31+$0x60] =	vst v38;
	v44 =	vld [tilespmem:s28+$0xFFFFFFF0];
	v63 =	vmul.f32 v34, v30  }
0x171: {  	v41 =	vmul.f32 v41, v27;
	v42 =	vshll.u32 v37, $0x10;
	v28 =	vld.idx.msk [tilespmem:v52+s4+$0x0], $0xffff;
	v36 =	vadd.f32 v36, v14  }
0x172: {  	v46 =	vmul.f32 v40, v24;
	v47 =	vmul.f32 v43, v24;
	v61 =	vld [tilespmem:s11+$0x70];
	v32 =	vadd.f32 v63, v22  }
0x173: {  	v45 =	vadd.f32 v41, v23;
	v34 =	vadd.f32 v42, v59;
	[tilespmem:s0+$0x60] =	vst v36  }
0x174: {  	v51 =	vadd.f32 v46, v15;
	v24 =	vadd.f32 v47, v23;
	[tilespmem:s0+$0x460] =	vst v32  }
0x175: {  	v48 =	vmul.f32 v34, v27;
	v53 =	vshll.u32 v31, $0x10;
	v54 =	vshll.u32 v44, $0x10;
	v33 =	vld.idx.msk [tilespmem:v33+s4+$0x0], $0xffff  }
0x176: {  	v31 =	vand.u32 $0xFFFF0000, v31;
	v35 =	vand.u32 $0xFFFF0000, v44;
	v49 =	vand.u32 $0xFFFF0000, v28;
	v52 =	vld [tilespmem:s11+$0xFFFFFFF0]  }
0x177: {  	v50 =	vand.u32 $0xFFFF0000, v61;
	v27 =	vadd.f32 v48, v15;
	v37 =	vadd.f32 v54, v53  }
0x178: {  	v31 =	vadd.f32 v35, v31;
	v34 =	vadd.f32 v50, v49  }
0x179: {  	v28 =	vshll.u32 v28, $0x10;
	v25 =	vshll.u32 v61, $0x10;
	v55 =	vmul.f32 v37, v26  }
0x17a: {  	[tilespmem:s29+$0x470] =	vst v45;
	v25 =	vadd.f32 v25, v28;
	v56 =	vmul.f32 v31, v26;
	v34 =	vmul.f32 v34, v29  }
0x17b: {  	[tilespmem:s25+$0x70] =	vst v51;
	v61 =	vadd.f32 v55, v15;
	v57 =	vshll.u32 v33, $0x10;
	v58 =	vshll.u32 v52, $0x10  }
0x17c: {  	[tilespmem:s25+$0x470] =	vst v24;
	v59 =	vand.u32 $0xFFFF0000, v33;
	v60 =	vand.u32 $0xFFFF0000, v52;
	v31 =	vadd.f32 v58, v57  }
0x17d: {  	[tilespmem:s29+$0x70] =	vst v27;
	v25 =	vmul.f32 v25, v29;
	v26 =	vadd.f32 v56, v23;
	v24 =	vadd.f32 v60, v59  }
0x17e: {  	s21 =	sadd.s32 $0x1, s21;
	v34 =	vadd.f32 v34, v23;
	[tilespmem:s30+$0x70] =	vst v61;
	v62 =	vmul.f32 v31, v30  }
0x17f: {  	p1 =	sne.s32 s21, $0x20;
	v25 =	vadd.f32 v25, v15;
	[tilespmem:s30+$0x470] =	vst v26;
	v24 =	vmul.f32 v24, v30  }
.Ltmp1:
0x180: {  	[tilespmem:s31+$0x470] =	vst v34;
	v63 =	vadd.f32 v62, v15;
	(pc) =	sbr.rel @p1 .LBB2_2-.Ltmp1, $4  }
0x181: {  	s2 =	sor.u32 s5, s2;
	s30 =	sshll.u32 s23, $0x11;
	[tilespmem:s31+$0x70] =	vst v25;
	v24 =	vadd.f32 v24, v23  }
0x182: {  	s2 =	sshll.u32 s2, $0x5;
	s1 =	sadd.s32 s3, s30;
	[tilespmem:s0+$0x70] =	vst v63  }
0x183: {  	p0 =	por !p0, !p0;
	s31 =	sadd.s32 $0x1, s22;
	s1 =	sadd.s32 s2, s1;
	[tilespmem:s0+$0x470] =	vst v24  }
0x184: {  	[hbm4b:s1+s4] =	stream.linear.scatter [tilespmem:s24], [sflag:s31], $0x4000, $0x38;
	[tilespmem:$0x11900] =	vst v63  }
0x185: {  	s20 =	sadd.s32 $0x1, s20  }
0x186: {  	_ =	swait.ge [sflag:s18], $0x4000;
	p0 =	sne.s32 s20, s10  }
.Ltmp2:
0x187: {  	[sflag:s18] =	ssyncset.done $0x0;
	(pc) =	sbr.rel @p0 .LBB2_1-.Ltmp2, $4  }
0x188: {  	[sflag:s18] =	ssyncadd.s32 $0xFFFFC000  }
0x189: {  	_ =	swait.ge [sflag:s19], $0x4000  }
0x18a: {  	[sflag:s19] =	ssyncset.done $0x0  }
0x18b: {  	[sflag:s19] =	ssyncadd.s32 $0xFFFFC000  }
0x18c: {  	_ =	sfence.sel $0x180000  }
0x18d: {  	[bflag:$0x0] =	sbarrier.arrive $0xFFFF  }
0x18e: {  	_ =	strace $0x90000047  }
0x18f: {  	s0 =	stileid.u32;
	[bflag:$0x2] =	sbarrier.arrive $0xFFFF  }
0x190: {  	p0 =	sne.s32 s0, $0x0;
	s0 =	rddreg [dreg:$0x4]  }
0x191: {  	s0 =	sadd.s32 @!p0 $0x100000, s0  }
0x192: {  	[sflag:s0] =	ssyncadd.tile.s32 @!p0 $0x1;
	_ =	shalt  }
.Lfunc_end2:
_tile_overlayer_lowered:
.L_overlay_start_2:
0x193: {  	(tag) =	ssettag $0x2  }
0x194: {  	s0 =	rddreg [dreg:$0x0];
	s2 =	stileid.u32  }
0x195: {  	s1 =	rddreg [dreg:$0x1];
	p0 =	sne.s32 s2, $0x0  }
0x196: {  	s3 =	rddreg [dreg:$0x2];
	[bflag:$0x3] =	sbarrier.arrive $0xFFFF;
	s2 =	simm.s32 @!p0 $0x1C04  }
0x197: {  	[timem:s3], [sflag:s2] =	dma.local @!p0 [hbm:s0], s1  }
0x198: {  	s0 =	simm.s32 @!p0 $0x4  }
0x199: {  	_ =	swait.ge @!p0 [sflag:s0], s1  }
0x19a: {  	s1 =	ssub.s32 @!p0 $0x0, s1;
	[sflag:s0] =	ssyncset.done @!p0 $0x0  }
0x19b: {  	[sflag:s0] =	ssyncadd.s32 @!p0 s1  }
0x19c: {  	[bflag:$0x3] =	sbarrier.arrive $0xFFFF  }
0x19d: {  	_ =	shalt  }

</sc_bundles>
